<compile_context>
chip_gen: v7x
topology: tpu7x:2x2x1
jax: 0.10.2.dev20260603
libtpu: 0.0.44.dev20260713+nightly
codegen_flags: <defaults>
</compile_context>

<pallas_src>
import functools

import jax
import jax.numpy as jnp
from jax import lax
from jax.experimental import pallas as pl
from jax.experimental.pallas import tpu as pltpu
from jax.experimental.pallas import tpu_sc as plsc

N_NODES = 10000
N_EDGES = 320000
D = 128
NP = 10240
NC, NS = 2, 16
NW = NC * NS
L = 16
EDGE_BATCH = 128
BPW = 80
CHUNK = 16
NCHUNK = BPW // CHUNK
E_PAD = NW * BPW * EDGE_BATCH
ROWS_PER_TILE = NP // NS
BR = 1024
GRID = NP // BR


def _make_sc_pass(with_deg: bool):
    mesh = plsc.VectorSubcoreMesh(core_axis_name="c", subcore_axis_name="s")

    rows_t = jax.ShapeDtypeStruct((NC * NP, D), jnp.float32)
    deg_t = jax.ShapeDtypeStruct((NW, NP), jnp.float32)
    out_type = (rows_t, deg_t) if with_deg else rows_t
    scratch = [
        pltpu.VMEM((CHUNK, EDGE_BATCH), jnp.int32),
        pltpu.VMEM((CHUNK, EDGE_BATCH), jnp.int32),
        pltpu.VMEM((EDGE_BATCH, D), jnp.float32),
        pltpu.VMEM((EDGE_BATCH, D), jnp.float32),
        pltpu.VMEM_SHARED((NP, D), jnp.float32),
        pltpu.SemaphoreType.DMA,
        pltpu.SemaphoreType.DMA,
    ]
    if with_deg:
        scratch.append(pltpu.VMEM((NP,), jnp.float32))

    @functools.partial(
        pl.kernel, mesh=mesh, out_type=out_type, scratch_types=scratch,
        compiler_params=pltpu.CompilerParams(needs_layout_passes=False))
    def sc_pass(table_hbm, srcb_hbm, dstb_hbm, zeros_hbm, zdeg_hbm, *rest):
        if with_deg:
            out_hbm, deg_hbm, src_v, dst_v, msg0, msg1, agg_sh, sem0, sem1, \
                deg_v = rest
        else:
            out_hbm, src_v, dst_v, msg0, msg1, agg_sh, sem0, sem1 = rest

        c = lax.axis_index("c")
        s = lax.axis_index("s")
        wid = s * NC + c
        row0 = pl.multiple_of(s * ROWS_PER_TILE, ROWS_PER_TILE)

        pltpu.sync_copy(zeros_hbm.at[pl.ds(row0, ROWS_PER_TILE)],
                        agg_sh.at[pl.ds(row0, ROWS_PER_TILE)])
        if with_deg:
            pltpu.sync_copy(zdeg_hbm, deg_v)
        plsc.subcore_barrier()

        def chunk_body(g, _):
            bat0 = pl.multiple_of((wid * NCHUNK + g) * CHUNK, CHUNK)
            pltpu.sync_copy(srcb_hbm.at[pl.ds(bat0, CHUNK)], src_v)
            pltpu.sync_copy(dstb_hbm.at[pl.ds(bat0, CHUNK)], dst_v)

            pltpu.async_copy(table_hbm.at[src_v.at[0]], msg0, sem0)

            def body(b, _):
                @pl.when(b + 1 < CHUNK)
                def _():
                    @pl.when(lax.rem(b, 2) == 0)
                    def _():
                        pltpu.async_copy(table_hbm.at[src_v.at[b + 1]], msg1,
                                         sem1)

                    @pl.when(lax.rem(b, 2) == 1)
                    def _():
                        pltpu.async_copy(table_hbm.at[src_v.at[b + 1]], msg0,
                                         sem0)

                @pl.when(lax.rem(b, 2) == 0)
                def _():
                    pltpu.make_async_copy(table_hbm.at[src_v.at[0]], msg0,
                                          sem0).wait()
                    pltpu.sync_copy(msg0, agg_sh.at[dst_v.at[b]], add=True)

                @pl.when(lax.rem(b, 2) == 1)
                def _():
                    pltpu.make_async_copy(table_hbm.at[src_v.at[0]], msg1,
                                          sem1).wait()
                    pltpu.sync_copy(msg1, agg_sh.at[dst_v.at[b]], add=True)
                return 0

            lax.fori_loop(0, CHUNK, body, 0)

            if with_deg:
                ones16 = jnp.full((L,), 1.0, jnp.float32)

                def dbody(b, _):
                    for k in range(EDGE_BATCH // L):
                        idx16 = dst_v[b, pl.ds(k * L, L)]
                        plsc.addupdate_scatter(deg_v, [idx16], ones16)
                    return 0

                lax.fori_loop(0, CHUNK, dbody, 0)
            return 0

        lax.fori_loop(0, NCHUNK, chunk_body, 0)

        if with_deg:
            pltpu.sync_copy(deg_v, deg_hbm.at[wid])

        plsc.subcore_barrier()
        orow0 = pl.multiple_of(c * NP + s * ROWS_PER_TILE, ROWS_PER_TILE)
        pltpu.sync_copy(agg_sh.at[pl.ds(row0, ROWS_PER_TILE)],
                        out_hbm.at[pl.ds(orow0, ROWS_PER_TILE)])

    return sc_pass


_sc_pass_deg = _make_sc_pass(True)
_sc_pass = _make_sc_pass(False)



def _prep_body(x_ref, w_ref, o_ref):
    o_ref[...] = jnp.dot(x_ref[...], w_ref[...],
                         preferred_element_type=jnp.float32)


def _deg_col(dp_ref):
    return jnp.sum(dp_ref[...].T, axis=1, keepdims=True)


def _mid_body(p0_ref, p1_ref, t1_ref, dp_ref, b1_ref, w2_ref, o_ref):
    num = p0_ref[...] + p1_ref[...] + t1_ref[...]
    deg = _deg_col(dp_ref)
    h1 = jnp.maximum(num / (deg + 1.0) + b1_ref[...], 0.0)
    o_ref[...] = jnp.dot(h1, w2_ref[...], preferred_element_type=jnp.float32)


def _fin_body(q0_ref, q1_ref, t2_ref, dp_ref, b2_ref, o_ref):
    deg = _deg_col(dp_ref)
    o_ref[...] = (q0_ref[...] + q1_ref[...] + t2_ref[...]) / (deg + 1.0) \
        + b2_ref[...]


def kernel(x, edge_index, W1, b1, W2, b2):
    src = edge_index[0].astype(jnp.int32)
    dst = edge_index[1].astype(jnp.int32)
    n_pad_e = E_PAD - N_EDGES
    src_p = jnp.concatenate([src, jnp.zeros((n_pad_e,), jnp.int32)])
    dst_p = jnp.concatenate(
        [dst, N_NODES + (jnp.arange(n_pad_e, dtype=jnp.int32) % (NP - N_NODES))])
    srcb = src_p.reshape(NW * BPW, EDGE_BATCH)
    dstb = dst_p.reshape(NW * BPW, EDGE_BATCH)

    xp = jnp.pad(x, ((0, NP - N_NODES), (0, 0)))
    zeros128 = jnp.zeros((NP, D), jnp.float32)
    zdeg = jnp.zeros((NP,), jnp.float32)
    b1r = b1.reshape(1, D)
    b2r = b2.reshape(1, D)

    t1 = pl.pallas_call(
        _prep_body,
        grid=(GRID,),
        in_specs=[pl.BlockSpec((BR, D), lambda i: (i, 0)),
                  pl.BlockSpec((D, D), lambda i: (0, 0))],
        out_specs=pl.BlockSpec((BR, D), lambda i: (i, 0)),
        out_shape=jax.ShapeDtypeStruct((NP, D), jnp.float32),
    )(xp, W1)

    p, degp = _sc_pass_deg(t1, srcb, dstb, zeros128, zdeg)

    t2 = pl.pallas_call(
        _mid_body,
        grid=(GRID,),
        in_specs=[pl.BlockSpec((BR, D), lambda i: (i, 0)),
                  pl.BlockSpec((BR, D), lambda i: (i + GRID, 0)),
                  pl.BlockSpec((BR, D), lambda i: (i, 0)),
                  pl.BlockSpec((NW, BR), lambda i: (0, i)),
                  pl.BlockSpec((1, D), lambda i: (0, 0)),
                  pl.BlockSpec((D, D), lambda i: (0, 0))],
        out_specs=pl.BlockSpec((BR, D), lambda i: (i, 0)),
        out_shape=jax.ShapeDtypeStruct((NP, D), jnp.float32),
    )(p, p, t1, degp, b1r, W2)

    q = _sc_pass(t2, srcb, dstb, zeros128, zdeg)

    out = pl.pallas_call(
        _fin_body,
        grid=(GRID,),
        in_specs=[pl.BlockSpec((BR, D), lambda i: (i, 0)),
                  pl.BlockSpec((BR, D), lambda i: (i + GRID, 0)),
                  pl.BlockSpec((BR, D), lambda i: (i, 0)),
                  pl.BlockSpec((NW, BR), lambda i: (0, i)),
                  pl.BlockSpec((1, D), lambda i: (0, 0))],
        out_specs=pl.BlockSpec((BR, D), lambda i: (i, 0)),
        out_shape=jax.ShapeDtypeStruct((NP, D), jnp.float32),
    )(q, q, t2, degp, b2r)

    return out[:N_NODES]

# --- scband reference (transcript-rebuilt; emitter-appended) ---
"""Pipeline reference for scband-encoder-82205674045926 (READ-ONLY COPY).

The authoritative reference and input builder live on the scoring server;
editing this copy changes nothing except your own understanding.
"""

import jax, jax.numpy as jnp
import numpy as np

N_NODES = 10000
N_EDGES = 320000
D_IN = 128
D_HID = 128
D_OUT = 128


def setup_inputs(seed: int = 0) -> dict:
    key = jax.random.key(seed)
    k_x, k_e, k_w1, k_b1, k_w2, k_b2 = jax.random.split(key, 6)
    x = jax.random.normal(k_x, (N_NODES, D_IN), dtype=jnp.float32)
    edge_index = jax.random.randint(k_e, (2, N_EDGES), 0, N_NODES, dtype=jnp.int64)
    # DGL SAGEConv('gcn') parameters: fc_neigh Linear(in, out) per layer
    W1 = jax.random.normal(k_w1, (D_IN, D_HID), dtype=jnp.float32) * (1.0 / np.sqrt(D_IN))
    b1 = jnp.zeros((D_HID,), dtype=jnp.float32)
    W2 = jax.random.normal(k_w2, (D_HID, D_OUT), dtype=jnp.float32) * (1.0 / np.sqrt(D_HID))
    b2 = jnp.zeros((D_OUT,), dtype=jnp.float32)
    return {"x": x, "edge_index": edge_index, "W1": W1, "b1": b1, "W2": W2, "b2": b2}


def _sage_gcn(h, src, dst, W, b, n_nodes):
    # DGL SAGEConv with 'gcn' aggregator:
    # h_neigh = (sum_{u in N(v)} h_u + h_v) / (in_deg(v) + 1); out = fc_neigh(h_neigh)
    msg = jnp.take(h, src, axis=0)                         # gather over edges
    agg = jax.ops.segment_sum(msg, dst, num_segments=n_nodes)  # scatter-add
    deg = jax.ops.segment_sum(jnp.ones((src.shape[0],), dtype=h.dtype), dst, num_segments=n_nodes)
    h_neigh = (agg + h) / (deg[:, None] + 1.0)
    return h_neigh @ W + b


def reference(x, edge_index, W1, b1, W2, b2):
    # Encoder.forward in eval mode (dropout inactive)
    src = edge_index[0]
    dst = edge_index[1]
    h = _sage_gcn(x, src, dst, W1, b1, N_NODES)
    h = jax.nn.relu(h)
    h = _sage_gcn(h, src, dst, W2, b2, N_NODES)
    return h

if __name__ == "__main__":
    import jax
    _d = setup_inputs()
    print(jax.jit(kernel)(*tuple(_d.values())))

</pallas_src>

<mosaic_0001>
#map = affine_map<(d0, d1) -> (0, 0)>
#map1 = affine_map<(d0, d1) -> (0)>
module attributes {stable_mosaic.version = 14 : i64} {
  func.func @sc_pass(%arg0: i32, %arg1: i32, %arg2: memref<10240x128xf32, #tpu.memory_space<hbm>>, %arg3: memref<2560x128xi32, #tpu.memory_space<hbm>>, %arg4: memref<2560x128xi32, #tpu.memory_space<hbm>>, %arg5: memref<10240x128xf32, #tpu.memory_space<hbm>>, %arg6: memref<10240xf32, #tpu.memory_space<hbm>>, %arg7: memref<20480x128xf32, #tpu.memory_space<hbm>>, %arg8: memref<16x128xi32, #tpu.memory_space<vmem>>, %arg9: memref<16x128xi32, #tpu.memory_space<vmem>>, %arg10: memref<128x128xf32, #tpu.memory_space<vmem>>, %arg11: memref<128x128xf32, #tpu.memory_space<vmem>>, %arg12: memref<10240x128xf32, #tpu.memory_space<vmem_shared>>, %arg13: memref<!tpu.dma_semaphore, #tpu.memory_space<semaphore_mem>>, %arg14: memref<!tpu.dma_semaphore, #tpu.memory_space<semaphore_mem>>) attributes {dimension_semantics = [#tpu.dimension_semantics<core_parallel>, #tpu.dimension_semantics<subcore_parallel>], iteration_bounds = array<i64: 2, 16>, scalar_prefetch = 0 : i64, scratch_operands = 7 : i64, tpu.core_type = #tpu.core_type<sc_vector_subcore>, window_params = [{transform_indices = #map}, {transform_indices = #map}, {transform_indices = #map}, {transform_indices = #map}, {transform_indices = #map1}, {transform_indices = #map}]} {
    %mul3A = arith.constant 2 : i32
    %mul3A_0 = arith.muli %arg1, %mul3A : i32
    %add3A = arith.addi %mul3A_0, %arg0 : i32
    %mul3A_1 = arith.constant 640 : i32
    %mul3A_2 = arith.muli %arg1, %mul3A_1 : i32
    %multiple_of3A = tpu.assume_multiple %mul3A_2, 640 : i32
    "tpu.region"() ({
      %run_scoped3A = tpu.sem_alloc : memref<!tpu.dma_semaphore, #tpu.memory_space<semaphore_mem>>
      %dma_start3A = arith.constant 0 : i32
      %dma_start3A_16 = tpu.memref_slice %arg12[%multiple_of3A, %dma_start3A] : memref<10240x128xf32, #tpu.memory_space<vmem_shared>> -> memref<640x128xf32, #tpu.memory_space<vmem_shared>>
      %dma_start3A_17 = arith.constant 0 : i32
      %dma_start3A_18 = tpu.memref_slice %arg5[%multiple_of3A, %dma_start3A_17] : memref<10240x128xf32, #tpu.memory_space<hbm>> -> memref<640x128xf32, #tpu.memory_space<hbm>>
      tpu.enqueue_dma source(%dma_start3A_18 : memref<640x128xf32, #tpu.memory_space<hbm>>) target(%dma_start3A_16 : memref<640x128xf32, #tpu.memory_space<vmem_shared>>) target_semaphore(%run_scoped3A : memref<!tpu.dma_semaphore, #tpu.memory_space<semaphore_mem>>)
      %dma_wait3A = arith.constant 0 : i32
      %dma_wait3A_19 = tpu.memref_slice %arg12[%multiple_of3A, %dma_wait3A] : memref<10240x128xf32, #tpu.memory_space<vmem_shared>> -> memref<640x128xf32, #tpu.memory_space<vmem_shared>>
      %dma_wait3A_20 = arith.constant 0 : i32
      %dma_wait3A_21 = tpu.memref_slice %arg5[%multiple_of3A, %dma_wait3A_20] : memref<10240x128xf32, #tpu.memory_space<hbm>> -> memref<640x128xf32, #tpu.memory_space<hbm>>
      tpu.wait_dma2 semaphore(%run_scoped3A : memref<!tpu.dma_semaphore, #tpu.memory_space<semaphore_mem>>) src(%dma_wait3A_21 : memref<640x128xf32, #tpu.memory_space<hbm>>) dst(%dma_wait3A_19 : memref<640x128xf32, #tpu.memory_space<vmem_shared>>)
      tpu.yield
    }) : () -> ()
    %barrier3A = arith.constant 0 : index
    tpu.barrier barrier_id(%barrier3A)
    %scan3A = arith.constant 0 : i32
    %scan3A_3 = arith.constant 0 : i32
    %scan3A_4 = arith.constant 5 : i32
    %scan3A_5 = arith.addi %scan3A_3, %scan3A_4 : i32
    %scan3A_6 = arith.constant 1 : i32
    %scan3A_7 = scf.for %scan3A_16 = %scan3A_3 to %scan3A_5 step %scan3A_6 iter_args(%scan3A_17 = %scan3A) -> (i32)  : i32 {
      %mul3A_18 = arith.constant 5 : i32
      %mul3A_19 = arith.muli %add3A, %mul3A_18 : i32
      %add3A_20 = arith.addi %mul3A_19, %scan3A_16 : i32
      %mul3A_21 = arith.constant 16 : i32
      %mul3A_22 = arith.muli %add3A_20, %mul3A_21 : i32
      %multiple_of3A_23 = tpu.assume_multiple %mul3A_22, 16 : i32
      "tpu.region"() ({
        %run_scoped3A = tpu.sem_alloc : memref<!tpu.dma_semaphore, #tpu.memory_space<semaphore_mem>>
        %dma_start3A_38 = arith.constant 0 : i32
        %dma_start3A_39 = tpu.memref_slice %arg3[%multiple_of3A_23, %dma_start3A_38] : memref<2560x128xi32, #tpu.memory_space<hbm>> -> memref<16x128xi32, #tpu.memory_space<hbm>>
        %dma_start3A_40 = arith.constant 0 : i32
        %dma_start3A_41 = tpu.memref_slice %arg3[%multiple_of3A_23, %dma_start3A_40] : memref<2560x128xi32, #tpu.memory_space<hbm>> -> memref<16x128xi32, #tpu.memory_space<hbm>>
        tpu.enqueue_dma source(%dma_start3A_41 : memref<16x128xi32, #tpu.memory_space<hbm>>) target(%arg8 : memref<16x128xi32, #tpu.memory_space<vmem>>) target_semaphore(%run_scoped3A : memref<!tpu.dma_semaphore, #tpu.memory_space<semaphore_mem>>)
        %dma_wait3A = arith.constant 0 : i32
        %dma_wait3A_42 = tpu.memref_slice %arg3[%multiple_of3A_23, %dma_wait3A] : memref<2560x128xi32, #tpu.memory_space<hbm>> -> memref<16x128xi32, #tpu.memory_space<hbm>>
        %dma_wait3A_43 = arith.constant 0 : i32
        %dma_wait3A_44 = tpu.memref_slice %arg3[%multiple_of3A_23, %dma_wait3A_43] : memref<2560x128xi32, #tpu.memory_space<hbm>> -> memref<16x128xi32, #tpu.memory_space<hbm>>
        tpu.wait_dma2 semaphore(%run_scoped3A : memref<!tpu.dma_semaphore, #tpu.memory_space<semaphore_mem>>) src(%dma_wait3A_44 : memref<16x128xi32, #tpu.memory_space<hbm>>) dst(%arg8 : memref<16x128xi32, #tpu.memory_space<vmem>>)
        tpu.yield
      }) : () -> ()
      "tpu.region"() ({
        %run_scoped3A = tpu.sem_alloc : memref<!tpu.dma_semaphore, #tpu.memory_space<semaphore_mem>>
        %dma_start3A_38 = arith.constant 0 : i32
        %dma_start3A_39 = tpu.memref_slice %arg4[%multiple_of3A_23, %dma_start3A_38] : memref<2560x128xi32, #tpu.memory_space<hbm>> -> memref<16x128xi32, #tpu.memory_space<hbm>>
        %dma_start3A_40 = arith.constant 0 : i32
        %dma_start3A_41 = tpu.memref_slice %arg4[%multiple_of3A_23, %dma_start3A_40] : memref<2560x128xi32, #tpu.memory_space<hbm>> -> memref<16x128xi32, #tpu.memory_space<hbm>>
        tpu.enqueue_dma source(%dma_start3A_41 : memref<16x128xi32, #tpu.memory_space<hbm>>) target(%arg9 : memref<16x128xi32, #tpu.memory_space<vmem>>) target_semaphore(%run_scoped3A : memref<!tpu.dma_semaphore, #tpu.memory_space<semaphore_mem>>)
        %dma_wait3A = arith.constant 0 : i32
        %dma_wait3A_42 = tpu.memref_slice %arg4[%multiple_of3A_23, %dma_wait3A] : memref<2560x128xi32, #tpu.memory_space<hbm>> -> memref<16x128xi32, #tpu.memory_space<hbm>>
        %dma_wait3A_43 = arith.constant 0 : i32
        %dma_wait3A_44 = tpu.memref_slice %arg4[%multiple_of3A_23, %dma_wait3A_43] : memref<2560x128xi32, #tpu.memory_space<hbm>> -> memref<16x128xi32, #tpu.memory_space<hbm>>
        tpu.wait_dma2 semaphore(%run_scoped3A : memref<!tpu.dma_semaphore, #tpu.memory_space<semaphore_mem>>) src(%dma_wait3A_44 : memref<16x128xi32, #tpu.memory_space<hbm>>) dst(%arg9 : memref<16x128xi32, #tpu.memory_space<vmem>>)
        tpu.yield
      }) : () -> ()
      %dma_start3A = arith.constant 0 : i32
      %dma_start3A_24 = arith.constant 0 : i32
      %dma_start3A_25 = tpu.memref_slice %arg8[%dma_start3A, %dma_start3A_24] : memref<16x128xi32, #tpu.memory_space<vmem>> -> memref<1x128xi32, #tpu.memory_space<vmem>>
      %dma_start3A_26 = tpu.memref_squeeze %dma_start3A_25 : memref<1x128xi32, #tpu.memory_space<vmem>> -> memref<128xi32, #tpu.memory_space<vmem>>
      %dma_start3A_27 = arith.constant 0 : i32
      %dma_start3A_28 = arith.constant 0 : i32
      %dma_start3A_29 = tpu.memref_slice %arg2[%dma_start3A_27, %dma_start3A_28] : memref<10240x128xf32, #tpu.memory_space<hbm>> -> memref<10240x128xf32, #tpu.memory_space<hbm>>
      tpu.enqueue_indirect_dma source(%dma_start3A_29 : memref<10240x128xf32, #tpu.memory_space<hbm>>) target(%arg10 : memref<128x128xf32, #tpu.memory_space<vmem>>) offsets(%dma_start3A_26 : memref<128xi32, #tpu.memory_space<vmem>>) semaphore(%arg13 : memref<!tpu.dma_semaphore, #tpu.memory_space<semaphore_mem>>)
      %scan3A_30 = arith.constant 0 : i32
      %scan3A_31 = arith.constant 0 : i32
      %scan3A_32 = arith.constant 16 : i32
      %scan3A_33 = arith.addi %scan3A_31, %scan3A_32 : i32
      %scan3A_34 = arith.constant 1 : i32
      %scan3A_35 = scf.for %scan3A_38 = %scan3A_31 to %scan3A_33 step %scan3A_34 iter_args(%scan3A_39 = %scan3A_30) -> (i32)  : i32 {
        %add3A_40 = arith.constant 1 : i32
        %add3A_41 = arith.addi %scan3A_38, %add3A_40 : i32
        %lt3A = arith.constant 16 : i32
        %lt3A_42 = arith.cmpi slt, %add3A_41, %lt3A : i32
        %convert_element_type3A = arith.extui %lt3A_42 : i1 to i32
        %cond3A = arith.constant 0 : i32
        %cond3A_43 = arith.cmpi ne, %convert_element_type3A, %cond3A : i32
        scf.if %cond3A_43 {
          %rem3A_57 = arith.constant 2 : i32
          %rem3A_58 = arith.remsi %scan3A_38, %rem3A_57 : i32
          %eq3A_59 = arith.constant 0 : i32
          %eq3A_60 = arith.cmpi eq, %rem3A_58, %eq3A_59 : i32
          %convert_element_type3A_61 = arith.extui %eq3A_60 : i1 to i32
          %cond3A_62 = arith.constant 0 : i32
          %cond3A_63 = arith.cmpi ne, %convert_element_type3A_61, %cond3A_62 : i32
          scf.if %cond3A_63 {
            %add3A_71 = arith.constant 1 : i32
            %add3A_72 = arith.addi %scan3A_38, %add3A_71 : i32
            %dma_start3A_73 = arith.constant 0 : i32
            %dma_start3A_74 = tpu.memref_slice %arg8[%add3A_72, %dma_start3A_73] : memref<16x128xi32, #tpu.memory_space<vmem>> -> memref<1x128xi32, #tpu.memory_space<vmem>>
            %dma_start3A_75 = tpu.memref_squeeze %dma_start3A_74 : memref<1x128xi32, #tpu.memory_space<vmem>> -> memref<128xi32, #tpu.memory_space<vmem>>
            %dma_start3A_76 = arith.constant 0 : i32
            %dma_start3A_77 = arith.constant 0 : i32
            %dma_start3A_78 = tpu.memref_slice %arg2[%dma_start3A_76, %dma_start3A_77] : memref<10240x128xf32, #tpu.memory_space<hbm>> -> memref<10240x128xf32, #tpu.memory_space<hbm>>
            tpu.enqueue_indirect_dma source(%dma_start3A_78 : memref<10240x128xf32, #tpu.memory_space<hbm>>) target(%arg11 : memref<128x128xf32, #tpu.memory_space<vmem>>) offsets(%dma_start3A_75 : memref<128xi32, #tpu.memory_space<vmem>>) semaphore(%arg14 : memref<!tpu.dma_semaphore, #tpu.memory_space<semaphore_mem>>)
          } else {
          }
          %rem3A_64 = arith.constant 2 : i32
          %rem3A_65 = arith.remsi %scan3A_38, %rem3A_64 : i32
          %eq3A_66 = arith.constant 1 : i32
          %eq3A_67 = arith.cmpi eq, %rem3A_65, %eq3A_66 : i32
          %convert_element_type3A_68 = arith.extui %eq3A_67 : i1 to i32
          %cond3A_69 = arith.constant 0 : i32
          %cond3A_70 = arith.cmpi ne, %convert_element_type3A_68, %cond3A_69 : i32
          scf.if %cond3A_70 {
            %add3A_71 = arith.constant 1 : i32
            %add3A_72 = arith.addi %scan3A_38, %add3A_71 : i32
            %dma_start3A_73 = arith.constant 0 : i32
            %dma_start3A_74 = tpu.memref_slice %arg8[%add3A_72, %dma_start3A_73] : memref<16x128xi32, #tpu.memory_space<vmem>> -> memref<1x128xi32, #tpu.memory_space<vmem>>
            %dma_start3A_75 = tpu.memref_squeeze %dma_start3A_74 : memref<1x128xi32, #tpu.memory_space<vmem>> -> memref<128xi32, #tpu.memory_space<vmem>>
            %dma_start3A_76 = arith.constant 0 : i32
            %dma_start3A_77 = arith.constant 0 : i32
            %dma_start3A_78 = tpu.memref_slice %arg2[%dma_start3A_76, %dma_start3A_77] : memref<10240x128xf32, #tpu.memory_space<hbm>> -> memref<10240x128xf32, #tpu.memory_space<hbm>>
            tpu.enqueue_indirect_dma source(%dma_start3A_78 : memref<10240x128xf32, #tpu.memory_space<hbm>>) target(%arg10 : memref<128x128xf32, #tpu.memory_space<vmem>>) offsets(%dma_start3A_75 : memref<128xi32, #tpu.memory_space<vmem>>) semaphore(%arg13 : memref<!tpu.dma_semaphore, #tpu.memory_space<semaphore_mem>>)
          } else {
          }
        } else {
        }
        %rem3A = arith.constant 2 : i32
        %rem3A_44 = arith.remsi %scan3A_38, %rem3A : i32
        %eq3A = arith.constant 0 : i32
        %eq3A_45 = arith.cmpi eq, %rem3A_44, %eq3A : i32
        %convert_element_type3A_46 = arith.extui %eq3A_45 : i1 to i32
        %cond3A_47 = arith.constant 0 : i32
        %cond3A_48 = arith.cmpi ne, %convert_element_type3A_46, %cond3A_47 : i32
        scf.if %cond3A_48 {
          %dma_wait3A = arith.constant 0 : i32
          %dma_wait3A_57 = arith.constant 0 : i32
          %dma_wait3A_58 = tpu.memref_slice %arg8[%dma_wait3A, %dma_wait3A_57] : memref<16x128xi32, #tpu.memory_space<vmem>> -> memref<1x128xi32, #tpu.memory_space<vmem>>
          %dma_wait3A_59 = tpu.memref_squeeze %dma_wait3A_58 : memref<1x128xi32, #tpu.memory_space<vmem>> -> memref<128xi32, #tpu.memory_space<vmem>>
          %dma_wait3A_60 = arith.constant 0 : i32
          %dma_wait3A_61 = arith.constant 0 : i32
          %dma_wait3A_62 = tpu.memref_slice %arg2[%dma_wait3A_60, %dma_wait3A_61] : memref<10240x128xf32, #tpu.memory_space<hbm>> -> memref<10240x128xf32, #tpu.memory_space<hbm>>
          tpu.wait_indirect_dma semaphore(%arg13 : memref<!tpu.dma_semaphore, #tpu.memory_space<semaphore_mem>>) src(%dma_wait3A_62 : memref<10240x128xf32, #tpu.memory_space<hbm>>) dst(%arg10 : memref<128x128xf32, #tpu.memory_space<vmem>>)
          "tpu.region"() ({
            %run_scoped3A = tpu.sem_alloc : memref<!tpu.dma_semaphore, #tpu.memory_space<semaphore_mem>>
            %dma_start3A_63 = arith.constant 0 : i32
            %dma_start3A_64 = tpu.memref_slice %arg9[%scan3A_38, %dma_start3A_63] : memref<16x128xi32, #tpu.memory_space<vmem>> -> memref<1x128xi32, #tpu.memory_space<vmem>>
            %dma_start3A_65 = tpu.memref_squeeze %dma_start3A_64 : memref<1x128xi32, #tpu.memory_space<vmem>> -> memref<128xi32, #tpu.memory_space<vmem>>
            %dma_start3A_66 = arith.constant 0 : i32
            %dma_start3A_67 = arith.constant 0 : i32
            %dma_start3A_68 = tpu.memref_slice %arg12[%dma_start3A_66, %dma_start3A_67] : memref<10240x128xf32, #tpu.memory_space<vmem_shared>> -> memref<10240x128xf32, #tpu.memory_space<vmem_shared>>
            tpu.enqueue_indirect_dma source(%arg10 : memref<128x128xf32, #tpu.memory_space<vmem>>) target(%dma_start3A_68 : memref<10240x128xf32, #tpu.memory_space<vmem_shared>>) offsets(%dma_start3A_65 : memref<128xi32, #tpu.memory_space<vmem>>) semaphore(%run_scoped3A : memref<!tpu.dma_semaphore, #tpu.memory_space<semaphore_mem>>) {add = true}
            %dma_wait3A_69 = arith.constant 0 : i32
            %dma_wait3A_70 = tpu.memref_slice %arg9[%scan3A_38, %dma_wait3A_69] : memref<16x128xi32, #tpu.memory_space<vmem>> -> memref<1x128xi32, #tpu.memory_space<vmem>>
            %dma_wait3A_71 = tpu.memref_squeeze %dma_wait3A_70 : memref<1x128xi32, #tpu.memory_space<vmem>> -> memref<128xi32, #tpu.memory_space<vmem>>
            %dma_wait3A_72 = arith.constant 0 : i32
            %dma_wait3A_73 = arith.constant 0 : i32
            %dma_wait3A_74 = tpu.memref_slice %arg12[%dma_wait3A_72, %dma_wait3A_73] : memref<10240x128xf32, #tpu.memory_space<vmem_shared>> -> memref<10240x128xf32, #tpu.memory_space<vmem_shared>>
            tpu.wait_indirect_dma semaphore(%run_scoped3A : memref<!tpu.dma_semaphore, #tpu.memory_space<semaphore_mem>>) src(%arg10 : memref<128x128xf32, #tpu.memory_space<vmem>>) dst(%dma_wait3A_74 : memref<10240x128xf32, #tpu.memory_space<vmem_shared>>)
            tpu.yield
          }) : () -> ()
        } else {
        }
        %rem3A_49 = arith.constant 2 : i32
        %rem3A_50 = arith.remsi %scan3A_38, %rem3A_49 : i32
        %eq3A_51 = arith.constant 1 : i32
        %eq3A_52 = arith.cmpi eq, %rem3A_50, %eq3A_51 : i32
        %convert_element_type3A_53 = arith.extui %eq3A_52 : i1 to i32
        %cond3A_54 = arith.constant 0 : i32
        %cond3A_55 = arith.cmpi ne, %convert_element_type3A_53, %cond3A_54 : i32
        scf.if %cond3A_55 {
          %dma_wait3A = arith.constant 0 : i32
          %dma_wait3A_57 = arith.constant 0 : i32
          %dma_wait3A_58 = tpu.memref_slice %arg8[%dma_wait3A, %dma_wait3A_57] : memref<16x128xi32, #tpu.memory_space<vmem>> -> memref<1x128xi32, #tpu.memory_space<vmem>>
          %dma_wait3A_59 = tpu.memref_squeeze %dma_wait3A_58 : memref<1x128xi32, #tpu.memory_space<vmem>> -> memref<128xi32, #tpu.memory_space<vmem>>
          %dma_wait3A_60 = arith.constant 0 : i32
          %dma_wait3A_61 = arith.constant 0 : i32
          %dma_wait3A_62 = tpu.memref_slice %arg2[%dma_wait3A_60, %dma_wait3A_61] : memref<10240x128xf32, #tpu.memory_space<hbm>> -> memref<10240x128xf32, #tpu.memory_space<hbm>>
          tpu.wait_indirect_dma semaphore(%arg14 : memref<!tpu.dma_semaphore, #tpu.memory_space<semaphore_mem>>) src(%dma_wait3A_62 : memref<10240x128xf32, #tpu.memory_space<hbm>>) dst(%arg11 : memref<128x128xf32, #tpu.memory_space<vmem>>)
          "tpu.region"() ({
            %run_scoped3A = tpu.sem_alloc : memref<!tpu.dma_semaphore, #tpu.memory_space<semaphore_mem>>
            %dma_start3A_63 = arith.constant 0 : i32
            %dma_start3A_64 = tpu.memref_slice %arg9[%scan3A_38, %dma_start3A_63] : memref<16x128xi32, #tpu.memory_space<vmem>> -> memref<1x128xi32, #tpu.memory_space<vmem>>
            %dma_start3A_65 = tpu.memref_squeeze %dma_start3A_64 : memref<1x128xi32, #tpu.memory_space<vmem>> -> memref<128xi32, #tpu.memory_space<vmem>>
            %dma_start3A_66 = arith.constant 0 : i32
            %dma_start3A_67 = arith.constant 0 : i32
            %dma_start3A_68 = tpu.memref_slice %arg12[%dma_start3A_66, %dma_start3A_67] : memref<10240x128xf32, #tpu.memory_space<vmem_shared>> -> memref<10240x128xf32, #tpu.memory_space<vmem_shared>>
            tpu.enqueue_indirect_dma source(%arg11 : memref<128x128xf32, #tpu.memory_space<vmem>>) target(%dma_start3A_68 : memref<10240x128xf32, #tpu.memory_space<vmem_shared>>) offsets(%dma_start3A_65 : memref<128xi32, #tpu.memory_space<vmem>>) semaphore(%run_scoped3A : memref<!tpu.dma_semaphore, #tpu.memory_space<semaphore_mem>>) {add = true}
            %dma_wait3A_69 = arith.constant 0 : i32
            %dma_wait3A_70 = tpu.memref_slice %arg9[%scan3A_38, %dma_wait3A_69] : memref<16x128xi32, #tpu.memory_space<vmem>> -> memref<1x128xi32, #tpu.memory_space<vmem>>
            %dma_wait3A_71 = tpu.memref_squeeze %dma_wait3A_70 : memref<1x128xi32, #tpu.memory_space<vmem>> -> memref<128xi32, #tpu.memory_space<vmem>>
            %dma_wait3A_72 = arith.constant 0 : i32
            %dma_wait3A_73 = arith.constant 0 : i32
            %dma_wait3A_74 = tpu.memref_slice %arg12[%dma_wait3A_72, %dma_wait3A_73] : memref<10240x128xf32, #tpu.memory_space<vmem_shared>> -> memref<10240x128xf32, #tpu.memory_space<vmem_shared>>
            tpu.wait_indirect_dma semaphore(%run_scoped3A : memref<!tpu.dma_semaphore, #tpu.memory_space<semaphore_mem>>) src(%arg11 : memref<128x128xf32, #tpu.memory_space<vmem>>) dst(%dma_wait3A_74 : memref<10240x128xf32, #tpu.memory_space<vmem_shared>>)
            tpu.yield
          }) : () -> ()
        } else {
        }
        %scan3A_56 = arith.constant 0 : i32
        scf.yield %scan3A_56 : i32
      }
      %scan3A_36 = arith.constant 16 : i32
      %scan3A_37 = arith.constant 0 : i32
      scf.yield %scan3A_37 : i32
    }
    %scan3A_8 = arith.constant 5 : i32
    %barrier3A_9 = arith.constant 0 : index
    tpu.barrier barrier_id(%barrier3A_9)
    %mul3A_10 = arith.constant 10240 : i32
    %mul3A_11 = arith.muli %arg0, %mul3A_10 : i32
    %mul3A_12 = arith.constant 640 : i32
    %mul3A_13 = arith.muli %arg1, %mul3A_12 : i32
    %add3A_14 = arith.addi %mul3A_11, %mul3A_13 : i32
    %multiple_of3A_15 = tpu.assume_multiple %add3A_14, 640 : i32
    "tpu.region"() ({
      %run_scoped3A = tpu.sem_alloc : memref<!tpu.dma_semaphore, #tpu.memory_space<semaphore_mem>>
      %dma_start3A = arith.constant 0 : i32
      %dma_start3A_16 = tpu.memref_slice %arg7[%multiple_of3A_15, %dma_start3A] : memref<20480x128xf32, #tpu.memory_space<hbm>> -> memref<640x128xf32, #tpu.memory_space<hbm>>
      %dma_start3A_17 = arith.constant 0 : i32
      %dma_start3A_18 = tpu.memref_slice %arg12[%multiple_of3A, %dma_start3A_17] : memref<10240x128xf32, #tpu.memory_space<vmem_shared>> -> memref<640x128xf32, #tpu.memory_space<vmem_shared>>
      tpu.enqueue_dma source(%dma_start3A_18 : memref<640x128xf32, #tpu.memory_space<vmem_shared>>) target(%dma_start3A_16 : memref<640x128xf32, #tpu.memory_space<hbm>>) target_semaphore(%run_scoped3A : memref<!tpu.dma_semaphore, #tpu.memory_space<semaphore_mem>>)
      %dma_wait3A = arith.constant 0 : i32
      %dma_wait3A_19 = tpu.memref_slice %arg7[%multiple_of3A_15, %dma_wait3A] : memref<20480x128xf32, #tpu.memory_space<hbm>> -> memref<640x128xf32, #tpu.memory_space<hbm>>
      %dma_wait3A_20 = arith.constant 0 : i32
      %dma_wait3A_21 = tpu.memref_slice %arg12[%multiple_of3A, %dma_wait3A_20] : memref<10240x128xf32, #tpu.memory_space<vmem_shared>> -> memref<640x128xf32, #tpu.memory_space<vmem_shared>>
      tpu.wait_dma2 semaphore(%run_scoped3A : memref<!tpu.dma_semaphore, #tpu.memory_space<semaphore_mem>>) src(%dma_wait3A_21 : memref<640x128xf32, #tpu.memory_space<vmem_shared>>) dst(%dma_wait3A_19 : memref<640x128xf32, #tpu.memory_space<hbm>>)
      tpu.yield
    }) : () -> ()
    return
  }
}

#map = affine_map<(d0, d1) -> (0, 0)>
#map1 = affine_map<(d0, d1) -> (0)>
module attributes {stable_mosaic.version = 14 : i64} {
  func.func @sc_pass(%arg0: i32, %arg1: i32, %arg2: memref<10240x128xf32, #tpu.memory_space<hbm>>, %arg3: memref<2560x128xi32, #tpu.memory_space<hbm>>, %arg4: memref<2560x128xi32, #tpu.memory_space<hbm>>, %arg5: memref<10240x128xf32, #tpu.memory_space<hbm>>, %arg6: memref<10240xf32, #tpu.memory_space<hbm>>, %arg7: memref<20480x128xf32, #tpu.memory_space<hbm>>, %arg8: memref<32x10240xf32, #tpu.memory_space<hbm>>, %arg9: memref<16x128xi32, #tpu.memory_space<vmem>>, %arg10: memref<16x128xi32, #tpu.memory_space<vmem>>, %arg11: memref<128x128xf32, #tpu.memory_space<vmem>>, %arg12: memref<128x128xf32, #tpu.memory_space<vmem>>, %arg13: memref<10240x128xf32, #tpu.memory_space<vmem_shared>>, %arg14: memref<!tpu.dma_semaphore, #tpu.memory_space<semaphore_mem>>, %arg15: memref<!tpu.dma_semaphore, #tpu.memory_space<semaphore_mem>>, %arg16: memref<10240xf32, #tpu.memory_space<vmem>>) attributes {dimension_semantics = [#tpu.dimension_semantics<core_parallel>, #tpu.dimension_semantics<subcore_parallel>], iteration_bounds = array<i64: 2, 16>, scalar_prefetch = 0 : i64, scratch_operands = 8 : i64, tpu.core_type = #tpu.core_type<sc_vector_subcore>, window_params = [{transform_indices = #map}, {transform_indices = #map}, {transform_indices = #map}, {transform_indices = #map}, {transform_indices = #map1}, {transform_indices = #map}, {transform_indices = #map}]} {
    %mul3A = arith.constant 2 : i32
    %mul3A_0 = arith.muli %arg1, %mul3A : i32
    %add3A = arith.addi %mul3A_0, %arg0 : i32
    %mul3A_1 = arith.constant 640 : i32
    %mul3A_2 = arith.muli %arg1, %mul3A_1 : i32
    %multiple_of3A = tpu.assume_multiple %mul3A_2, 640 : i32
    "tpu.region"() ({
      %run_scoped3A = tpu.sem_alloc : memref<!tpu.dma_semaphore, #tpu.memory_space<semaphore_mem>>
      %dma_start3A = arith.constant 0 : i32
      %dma_start3A_16 = tpu.memref_slice %arg13[%multiple_of3A, %dma_start3A] : memref<10240x128xf32, #tpu.memory_space<vmem_shared>> -> memref<640x128xf32, #tpu.memory_space<vmem_shared>>
      %dma_start3A_17 = arith.constant 0 : i32
      %dma_start3A_18 = tpu.memref_slice %arg5[%multiple_of3A, %dma_start3A_17] : memref<10240x128xf32, #tpu.memory_space<hbm>> -> memref<640x128xf32, #tpu.memory_space<hbm>>
      tpu.enqueue_dma source(%dma_start3A_18 : memref<640x128xf32, #tpu.memory_space<hbm>>) target(%dma_start3A_16 : memref<640x128xf32, #tpu.memory_space<vmem_shared>>) target_semaphore(%run_scoped3A : memref<!tpu.dma_semaphore, #tpu.memory_space<semaphore_mem>>)
      %dma_wait3A = arith.constant 0 : i32
      %dma_wait3A_19 = tpu.memref_slice %arg13[%multiple_of3A, %dma_wait3A] : memref<10240x128xf32, #tpu.memory_space<vmem_shared>> -> memref<640x128xf32, #tpu.memory_space<vmem_shared>>
      %dma_wait3A_20 = arith.constant 0 : i32
      %dma_wait3A_21 = tpu.memref_slice %arg5[%multiple_of3A, %dma_wait3A_20] : memref<10240x128xf32, #tpu.memory_space<hbm>> -> memref<640x128xf32, #tpu.memory_space<hbm>>
      tpu.wait_dma2 semaphore(%run_scoped3A : memref<!tpu.dma_semaphore, #tpu.memory_space<semaphore_mem>>) src(%dma_wait3A_21 : memref<640x128xf32, #tpu.memory_space<hbm>>) dst(%dma_wait3A_19 : memref<640x128xf32, #tpu.memory_space<vmem_shared>>)
      tpu.yield
    }) : () -> ()
    "tpu.region"() ({
      %run_scoped3A = tpu.sem_alloc : memref<!tpu.dma_semaphore, #tpu.memory_space<semaphore_mem>>
      tpu.enqueue_dma source(%arg6 : memref<10240xf32, #tpu.memory_space<hbm>>) target(%arg16 : memref<10240xf32, #tpu.memory_space<vmem>>) target_semaphore(%run_scoped3A : memref<!tpu.dma_semaphore, #tpu.memory_space<semaphore_mem>>)
      tpu.wait_dma2 semaphore(%run_scoped3A : memref<!tpu.dma_semaphore, #tpu.memory_space<semaphore_mem>>) src(%arg6 : memref<10240xf32, #tpu.memory_space<hbm>>) dst(%arg16 : memref<10240xf32, #tpu.memory_space<vmem>>)
      tpu.yield
    }) : () -> ()
    %barrier3A = arith.constant 0 : index
    tpu.barrier barrier_id(%barrier3A)
    %scan3A = arith.constant 0 : i32
    %scan3A_3 = arith.constant 0 : i32
    %scan3A_4 = arith.constant 5 : i32
    %scan3A_5 = arith.addi %scan3A_3, %scan3A_4 : i32
    %scan3A_6 = arith.constant 1 : i32
    %scan3A_7 = scf.for %scan3A_16 = %scan3A_3 to %scan3A_5 step %scan3A_6 iter_args(%scan3A_17 = %scan3A) -> (i32)  : i32 {
      %mul3A_18 = arith.constant 5 : i32
      %mul3A_19 = arith.muli %add3A, %mul3A_18 : i32
      %add3A_20 = arith.addi %mul3A_19, %scan3A_16 : i32
      %mul3A_21 = arith.constant 16 : i32
      %mul3A_22 = arith.muli %add3A_20, %mul3A_21 : i32
      %multiple_of3A_23 = tpu.assume_multiple %mul3A_22, 16 : i32
      "tpu.region"() ({
        %run_scoped3A = tpu.sem_alloc : memref<!tpu.dma_semaphore, #tpu.memory_space<semaphore_mem>>
        %dma_start3A_46 = arith.constant 0 : i32
        %dma_start3A_47 = tpu.memref_slice %arg3[%multiple_of3A_23, %dma_start3A_46] : memref<2560x128xi32, #tpu.memory_space<hbm>> -> memref<16x128xi32, #tpu.memory_space<hbm>>
        %dma_start3A_48 = arith.constant 0 : i32
        %dma_start3A_49 = tpu.memref_slice %arg3[%multiple_of3A_23, %dma_start3A_48] : memref<2560x128xi32, #tpu.memory_space<hbm>> -> memref<16x128xi32, #tpu.memory_space<hbm>>
        tpu.enqueue_dma source(%dma_start3A_49 : memref<16x128xi32, #tpu.memory_space<hbm>>) target(%arg9 : memref<16x128xi32, #tpu.memory_space<vmem>>) target_semaphore(%run_scoped3A : memref<!tpu.dma_semaphore, #tpu.memory_space<semaphore_mem>>)
        %dma_wait3A = arith.constant 0 : i32
        %dma_wait3A_50 = tpu.memref_slice %arg3[%multiple_of3A_23, %dma_wait3A] : memref<2560x128xi32, #tpu.memory_space<hbm>> -> memref<16x128xi32, #tpu.memory_space<hbm>>
        %dma_wait3A_51 = arith.constant 0 : i32
        %dma_wait3A_52 = tpu.memref_slice %arg3[%multiple_of3A_23, %dma_wait3A_51] : memref<2560x128xi32, #tpu.memory_space<hbm>> -> memref<16x128xi32, #tpu.memory_space<hbm>>
        tpu.wait_dma2 semaphore(%run_scoped3A : memref<!tpu.dma_semaphore, #tpu.memory_space<semaphore_mem>>) src(%dma_wait3A_52 : memref<16x128xi32, #tpu.memory_space<hbm>>) dst(%arg9 : memref<16x128xi32, #tpu.memory_space<vmem>>)
        tpu.yield
      }) : () -> ()
      "tpu.region"() ({
        %run_scoped3A = tpu.sem_alloc : memref<!tpu.dma_semaphore, #tpu.memory_space<semaphore_mem>>
        %dma_start3A_46 = arith.constant 0 : i32
        %dma_start3A_47 = tpu.memref_slice %arg4[%multiple_of3A_23, %dma_start3A_46] : memref<2560x128xi32, #tpu.memory_space<hbm>> -> memref<16x128xi32, #tpu.memory_space<hbm>>
        %dma_start3A_48 = arith.constant 0 : i32
        %dma_start3A_49 = tpu.memref_slice %arg4[%multiple_of3A_23, %dma_start3A_48] : memref<2560x128xi32, #tpu.memory_space<hbm>> -> memref<16x128xi32, #tpu.memory_space<hbm>>
        tpu.enqueue_dma source(%dma_start3A_49 : memref<16x128xi32, #tpu.memory_space<hbm>>) target(%arg10 : memref<16x128xi32, #tpu.memory_space<vmem>>) target_semaphore(%run_scoped3A : memref<!tpu.dma_semaphore, #tpu.memory_space<semaphore_mem>>)
        %dma_wait3A = arith.constant 0 : i32
        %dma_wait3A_50 = tpu.memref_slice %arg4[%multiple_of3A_23, %dma_wait3A] : memref<2560x128xi32, #tpu.memory_space<hbm>> -> memref<16x128xi32, #tpu.memory_space<hbm>>
        %dma_wait3A_51 = arith.constant 0 : i32
        %dma_wait3A_52 = tpu.memref_slice %arg4[%multiple_of3A_23, %dma_wait3A_51] : memref<2560x128xi32, #tpu.memory_space<hbm>> -> memref<16x128xi32, #tpu.memory_space<hbm>>
        tpu.wait_dma2 semaphore(%run_scoped3A : memref<!tpu.dma_semaphore, #tpu.memory_space<semaphore_mem>>) src(%dma_wait3A_52 : memref<16x128xi32, #tpu.memory_space<hbm>>) dst(%arg10 : memref<16x128xi32, #tpu.memory_space<vmem>>)
        tpu.yield
      }) : () -> ()
      %dma_start3A = arith.constant 0 : i32
      %dma_start3A_24 = arith.constant 0 : i32
      %dma_start3A_25 = tpu.memref_slice %arg9[%dma_start3A, %dma_start3A_24] : memref<16x128xi32, #tpu.memory_space<vmem>> -> memref<1x128xi32, #tpu.memory_space<vmem>>
      %dma_start3A_26 = tpu.memref_squeeze %dma_start3A_25 : memref<1x128xi32, #tpu.memory_space<vmem>> -> memref<128xi32, #tpu.memory_space<vmem>>
      %dma_start3A_27 = arith.constant 0 : i32
      %dma_start3A_28 = arith.constant 0 : i32
      %dma_start3A_29 = tpu.memref_slice %arg2[%dma_start3A_27, %dma_start3A_28] : memref<10240x128xf32, #tpu.memory_space<hbm>> -> memref<10240x128xf32, #tpu.memory_space<hbm>>
      tpu.enqueue_indirect_dma source(%dma_start3A_29 : memref<10240x128xf32, #tpu.memory_space<hbm>>) target(%arg11 : memref<128x128xf32, #tpu.memory_space<vmem>>) offsets(%dma_start3A_26 : memref<128xi32, #tpu.memory_space<vmem>>) semaphore(%arg14 : memref<!tpu.dma_semaphore, #tpu.memory_space<semaphore_mem>>)
      %scan3A_30 = arith.constant 0 : i32
      %scan3A_31 = arith.constant 0 : i32
      %scan3A_32 = arith.constant 16 : i32
      %scan3A_33 = arith.addi %scan3A_31, %scan3A_32 : i32
      %scan3A_34 = arith.constant 1 : i32
      %scan3A_35 = scf.for %scan3A_46 = %scan3A_31 to %scan3A_33 step %scan3A_34 iter_args(%scan3A_47 = %scan3A_30) -> (i32)  : i32 {
        %add3A_48 = arith.constant 1 : i32
        %add3A_49 = arith.addi %scan3A_46, %add3A_48 : i32
        %lt3A = arith.constant 16 : i32
        %lt3A_50 = arith.cmpi slt, %add3A_49, %lt3A : i32
        %convert_element_type3A = arith.extui %lt3A_50 : i1 to i32
        %cond3A = arith.constant 0 : i32
        %cond3A_51 = arith.cmpi ne, %convert_element_type3A, %cond3A : i32
        scf.if %cond3A_51 {
          %rem3A_65 = arith.constant 2 : i32
          %rem3A_66 = arith.remsi %scan3A_46, %rem3A_65 : i32
          %eq3A_67 = arith.constant 0 : i32
          %eq3A_68 = arith.cmpi eq, %rem3A_66, %eq3A_67 : i32
          %convert_element_type3A_69 = arith.extui %eq3A_68 : i1 to i32
          %cond3A_70 = arith.constant 0 : i32
          %cond3A_71 = arith.cmpi ne, %convert_element_type3A_69, %cond3A_70 : i32
          scf.if %cond3A_71 {
            %add3A_79 = arith.constant 1 : i32
            %add3A_80 = arith.addi %scan3A_46, %add3A_79 : i32
            %dma_start3A_81 = arith.constant 0 : i32
            %dma_start3A_82 = tpu.memref_slice %arg9[%add3A_80, %dma_start3A_81] : memref<16x128xi32, #tpu.memory_space<vmem>> -> memref<1x128xi32, #tpu.memory_space<vmem>>
            %dma_start3A_83 = tpu.memref_squeeze %dma_start3A_82 : memref<1x128xi32, #tpu.memory_space<vmem>> -> memref<128xi32, #tpu.memory_space<vmem>>
            %dma_start3A_84 = arith.constant 0 : i32
            %dma_start3A_85 = arith.constant 0 : i32
            %dma_start3A_86 = tpu.memref_slice %arg2[%dma_start3A_84, %dma_start3A_85] : memref<10240x128xf32, #tpu.memory_space<hbm>> -> memref<10240x128xf32, #tpu.memory_space<hbm>>
            tpu.enqueue_indirect_dma source(%dma_start3A_86 : memref<10240x128xf32, #tpu.memory_space<hbm>>) target(%arg12 : memref<128x128xf32, #tpu.memory_space<vmem>>) offsets(%dma_start3A_83 : memref<128xi32, #tpu.memory_space<vmem>>) semaphore(%arg15 : memref<!tpu.dma_semaphore, #tpu.memory_space<semaphore_mem>>)
          } else {
          }
          %rem3A_72 = arith.constant 2 : i32
          %rem3A_73 = arith.remsi %scan3A_46, %rem3A_72 : i32
          %eq3A_74 = arith.constant 1 : i32
          %eq3A_75 = arith.cmpi eq, %rem3A_73, %eq3A_74 : i32
          %convert_element_type3A_76 = arith.extui %eq3A_75 : i1 to i32
          %cond3A_77 = arith.constant 0 : i32
          %cond3A_78 = arith.cmpi ne, %convert_element_type3A_76, %cond3A_77 : i32
          scf.if %cond3A_78 {
            %add3A_79 = arith.constant 1 : i32
            %add3A_80 = arith.addi %scan3A_46, %add3A_79 : i32
            %dma_start3A_81 = arith.constant 0 : i32
            %dma_start3A_82 = tpu.memref_slice %arg9[%add3A_80, %dma_start3A_81] : memref<16x128xi32, #tpu.memory_space<vmem>> -> memref<1x128xi32, #tpu.memory_space<vmem>>
            %dma_start3A_83 = tpu.memref_squeeze %dma_start3A_82 : memref<1x128xi32, #tpu.memory_space<vmem>> -> memref<128xi32, #tpu.memory_space<vmem>>
            %dma_start3A_84 = arith.constant 0 : i32
            %dma_start3A_85 = arith.constant 0 : i32
            %dma_start3A_86 = tpu.memref_slice %arg2[%dma_start3A_84, %dma_start3A_85] : memref<10240x128xf32, #tpu.memory_space<hbm>> -> memref<10240x128xf32, #tpu.memory_space<hbm>>
            tpu.enqueue_indirect_dma source(%dma_start3A_86 : memref<10240x128xf32, #tpu.memory_space<hbm>>) target(%arg11 : memref<128x128xf32, #tpu.memory_space<vmem>>) offsets(%dma_start3A_83 : memref<128xi32, #tpu.memory_space<vmem>>) semaphore(%arg14 : memref<!tpu.dma_semaphore, #tpu.memory_space<semaphore_mem>>)
          } else {
          }
        } else {
        }
        %rem3A = arith.constant 2 : i32
        %rem3A_52 = arith.remsi %scan3A_46, %rem3A : i32
        %eq3A = arith.constant 0 : i32
        %eq3A_53 = arith.cmpi eq, %rem3A_52, %eq3A : i32
        %convert_element_type3A_54 = arith.extui %eq3A_53 : i1 to i32
        %cond3A_55 = arith.constant 0 : i32
        %cond3A_56 = arith.cmpi ne, %convert_element_type3A_54, %cond3A_55 : i32
        scf.if %cond3A_56 {
          %dma_wait3A = arith.constant 0 : i32
          %dma_wait3A_65 = arith.constant 0 : i32
          %dma_wait3A_66 = tpu.memref_slice %arg9[%dma_wait3A, %dma_wait3A_65] : memref<16x128xi32, #tpu.memory_space<vmem>> -> memref<1x128xi32, #tpu.memory_space<vmem>>
          %dma_wait3A_67 = tpu.memref_squeeze %dma_wait3A_66 : memref<1x128xi32, #tpu.memory_space<vmem>> -> memref<128xi32, #tpu.memory_space<vmem>>
          %dma_wait3A_68 = arith.constant 0 : i32
          %dma_wait3A_69 = arith.constant 0 : i32
          %dma_wait3A_70 = tpu.memref_slice %arg2[%dma_wait3A_68, %dma_wait3A_69] : memref<10240x128xf32, #tpu.memory_space<hbm>> -> memref<10240x128xf32, #tpu.memory_space<hbm>>
          tpu.wait_indirect_dma semaphore(%arg14 : memref<!tpu.dma_semaphore, #tpu.memory_space<semaphore_mem>>) src(%dma_wait3A_70 : memref<10240x128xf32, #tpu.memory_space<hbm>>) dst(%arg11 : memref<128x128xf32, #tpu.memory_space<vmem>>)
          "tpu.region"() ({
            %run_scoped3A = tpu.sem_alloc : memref<!tpu.dma_semaphore, #tpu.memory_space<semaphore_mem>>
            %dma_start3A_71 = arith.constant 0 : i32
            %dma_start3A_72 = tpu.memref_slice %arg10[%scan3A_46, %dma_start3A_71] : memref<16x128xi32, #tpu.memory_space<vmem>> -> memref<1x128xi32, #tpu.memory_space<vmem>>
            %dma_start3A_73 = tpu.memref_squeeze %dma_start3A_72 : memref<1x128xi32, #tpu.memory_space<vmem>> -> memref<128xi32, #tpu.memory_space<vmem>>
            %dma_start3A_74 = arith.constant 0 : i32
            %dma_start3A_75 = arith.constant 0 : i32
            %dma_start3A_76 = tpu.memref_slice %arg13[%dma_start3A_74, %dma_start3A_75] : memref<10240x128xf32, #tpu.memory_space<vmem_shared>> -> memref<10240x128xf32, #tpu.memory_space<vmem_shared>>
            tpu.enqueue_indirect_dma source(%arg11 : memref<128x128xf32, #tpu.memory_space<vmem>>) target(%dma_start3A_76 : memref<10240x128xf32, #tpu.memory_space<vmem_shared>>) offsets(%dma_start3A_73 : memref<128xi32, #tpu.memory_space<vmem>>) semaphore(%run_scoped3A : memref<!tpu.dma_semaphore, #tpu.memory_space<semaphore_mem>>) {add = true}
            %dma_wait3A_77 = arith.constant 0 : i32
            %dma_wait3A_78 = tpu.memref_slice %arg10[%scan3A_46, %dma_wait3A_77] : memref<16x128xi32, #tpu.memory_space<vmem>> -> memref<1x128xi32, #tpu.memory_space<vmem>>
            %dma_wait3A_79 = tpu.memref_squeeze %dma_wait3A_78 : memref<1x128xi32, #tpu.memory_space<vmem>> -> memref<128xi32, #tpu.memory_space<vmem>>
            %dma_wait3A_80 = arith.constant 0 : i32
            %dma_wait3A_81 = arith.constant 0 : i32
            %dma_wait3A_82 = tpu.memref_slice %arg13[%dma_wait3A_80, %dma_wait3A_81] : memref<10240x128xf32, #tpu.memory_space<vmem_shared>> -> memref<10240x128xf32, #tpu.memory_space<vmem_shared>>
            tpu.wait_indirect_dma semaphore(%run_scoped3A : memref<!tpu.dma_semaphore, #tpu.memory_space<semaphore_mem>>) src(%arg11 : memref<128x128xf32, #tpu.memory_space<vmem>>) dst(%dma_wait3A_82 : memref<10240x128xf32, #tpu.memory_space<vmem_shared>>)
            tpu.yield
          }) : () -> ()
        } else {
        }
        %rem3A_57 = arith.constant 2 : i32
        %rem3A_58 = arith.remsi %scan3A_46, %rem3A_57 : i32
        %eq3A_59 = arith.constant 1 : i32
        %eq3A_60 = arith.cmpi eq, %rem3A_58, %eq3A_59 : i32
        %convert_element_type3A_61 = arith.extui %eq3A_60 : i1 to i32
        %cond3A_62 = arith.constant 0 : i32
        %cond3A_63 = arith.cmpi ne, %convert_element_type3A_61, %cond3A_62 : i32
        scf.if %cond3A_63 {
          %dma_wait3A = arith.constant 0 : i32
          %dma_wait3A_65 = arith.constant 0 : i32
          %dma_wait3A_66 = tpu.memref_slice %arg9[%dma_wait3A, %dma_wait3A_65] : memref<16x128xi32, #tpu.memory_space<vmem>> -> memref<1x128xi32, #tpu.memory_space<vmem>>
          %dma_wait3A_67 = tpu.memref_squeeze %dma_wait3A_66 : memref<1x128xi32, #tpu.memory_space<vmem>> -> memref<128xi32, #tpu.memory_space<vmem>>
          %dma_wait3A_68 = arith.constant 0 : i32
          %dma_wait3A_69 = arith.constant 0 : i32
          %dma_wait3A_70 = tpu.memref_slice %arg2[%dma_wait3A_68, %dma_wait3A_69] : memref<10240x128xf32, #tpu.memory_space<hbm>> -> memref<10240x128xf32, #tpu.memory_space<hbm>>
          tpu.wait_indirect_dma semaphore(%arg15 : memref<!tpu.dma_semaphore, #tpu.memory_space<semaphore_mem>>) src(%dma_wait3A_70 : memref<10240x128xf32, #tpu.memory_space<hbm>>) dst(%arg12 : memref<128x128xf32, #tpu.memory_space<vmem>>)
          "tpu.region"() ({
            %run_scoped3A = tpu.sem_alloc : memref<!tpu.dma_semaphore, #tpu.memory_space<semaphore_mem>>
            %dma_start3A_71 = arith.constant 0 : i32
            %dma_start3A_72 = tpu.memref_slice %arg10[%scan3A_46, %dma_start3A_71] : memref<16x128xi32, #tpu.memory_space<vmem>> -> memref<1x128xi32, #tpu.memory_space<vmem>>
            %dma_start3A_73 = tpu.memref_squeeze %dma_start3A_72 : memref<1x128xi32, #tpu.memory_space<vmem>> -> memref<128xi32, #tpu.memory_space<vmem>>
            %dma_start3A_74 = arith.constant 0 : i32
            %dma_start3A_75 = arith.constant 0 : i32
            %dma_start3A_76 = tpu.memref_slice %arg13[%dma_start3A_74, %dma_start3A_75] : memref<10240x128xf32, #tpu.memory_space<vmem_shared>> -> memref<10240x128xf32, #tpu.memory_space<vmem_shared>>
            tpu.enqueue_indirect_dma source(%arg12 : memref<128x128xf32, #tpu.memory_space<vmem>>) target(%dma_start3A_76 : memref<10240x128xf32, #tpu.memory_space<vmem_shared>>) offsets(%dma_start3A_73 : memref<128xi32, #tpu.memory_space<vmem>>) semaphore(%run_scoped3A : memref<!tpu.dma_semaphore, #tpu.memory_space<semaphore_mem>>) {add = true}
            %dma_wait3A_77 = arith.constant 0 : i32
            %dma_wait3A_78 = tpu.memref_slice %arg10[%scan3A_46, %dma_wait3A_77] : memref<16x128xi32, #tpu.memory_space<vmem>> -> memref<1x128xi32, #tpu.memory_space<vmem>>
            %dma_wait3A_79 = tpu.memref_squeeze %dma_wait3A_78 : memref<1x128xi32, #tpu.memory_space<vmem>> -> memref<128xi32, #tpu.memory_space<vmem>>
            %dma_wait3A_80 = arith.constant 0 : i32
            %dma_wait3A_81 = arith.constant 0 : i32
            %dma_wait3A_82 = tpu.memref_slice %arg13[%dma_wait3A_80, %dma_wait3A_81] : memref<10240x128xf32, #tpu.memory_space<vmem_shared>> -> memref<10240x128xf32, #tpu.memory_space<vmem_shared>>
            tpu.wait_indirect_dma semaphore(%run_scoped3A : memref<!tpu.dma_semaphore, #tpu.memory_space<semaphore_mem>>) src(%arg12 : memref<128x128xf32, #tpu.memory_space<vmem>>) dst(%dma_wait3A_82 : memref<10240x128xf32, #tpu.memory_space<vmem_shared>>)
            tpu.yield
          }) : () -> ()
        } else {
        }
        %scan3A_64 = arith.constant 0 : i32
        scf.yield %scan3A_64 : i32
      }
      %scan3A_36 = arith.constant 16 : i32
      %broadcast_in_dim3A = arith.constant 1.000000e+00 : f32
      %broadcast_in_dim3A_37 = vector.broadcast %broadcast_in_dim3A : f32 to vector<16xf32>
      %scan3A_38 = arith.constant 0 : i32
      %scan3A_39 = arith.constant 0 : i32
      %scan3A_40 = arith.constant 16 : i32
      %scan3A_41 = arith.addi %scan3A_39, %scan3A_40 : i32
      %scan3A_42 = arith.constant 1 : i32
      %scan3A_43 = scf.for %scan3A_46 = %scan3A_39 to %scan3A_41 step %scan3A_42 iter_args(%scan3A_47 = %scan3A_38) -> (i32)  : i32 {
        %get3A = arith.index_cast %scan3A_46 : i32 to index
        %get3A_48 = arith.constant 0 : index
        %get3A_49 = tpu.vector_load %arg10[%get3A, %get3A_48] {strides = array<i32>} : memref<16x128xi32, #tpu.memory_space<vmem>>, vector<16xi32>,
        tpu.vector_store_idx %arg16[%get3A_49], %broadcast_in_dim3A_37 {add = true} : memref<10240xf32, #tpu.memory_space<vmem>>[vector<16xi32>], vector<16xf32>,
        %get3A_50 = arith.index_cast %scan3A_46 : i32 to index
        %get3A_51 = arith.constant 16 : index
        %get3A_52 = tpu.vector_load %arg10[%get3A_50, %get3A_51] {strides = array<i32>} : memref<16x128xi32, #tpu.memory_space<vmem>>, vector<16xi32>,
        tpu.vector_store_idx %arg16[%get3A_52], %broadcast_in_dim3A_37 {add = true} : memref<10240xf32, #tpu.memory_space<vmem>>[vector<16xi32>], vector<16xf32>,
        %get3A_53 = arith.index_cast %scan3A_46 : i32 to index
        %get3A_54 = arith.constant 32 : index
        %get3A_55 = tpu.vector_load %arg10[%get3A_53, %get3A_54] {strides = array<i32>} : memref<16x128xi32, #tpu.memory_space<vmem>>, vector<16xi32>,
        tpu.vector_store_idx %arg16[%get3A_55], %broadcast_in_dim3A_37 {add = true} : memref<10240xf32, #tpu.memory_space<vmem>>[vector<16xi32>], vector<16xf32>,
        %get3A_56 = arith.index_cast %scan3A_46 : i32 to index
        %get3A_57 = arith.constant 48 : index
        %get3A_58 = tpu.vector_load %arg10[%get3A_56, %get3A_57] {strides = array<i32>} : memref<16x128xi32, #tpu.memory_space<vmem>>, vector<16xi32>,
        tpu.vector_store_idx %arg16[%get3A_58], %broadcast_in_dim3A_37 {add = true} : memref<10240xf32, #tpu.memory_space<vmem>>[vector<16xi32>], vector<16xf32>,
        %get3A_59 = arith.index_cast %scan3A_46 : i32 to index
        %get3A_60 = arith.constant 64 : index
        %get3A_61 = tpu.vector_load %arg10[%get3A_59, %get3A_60] {strides = array<i32>} : memref<16x128xi32, #tpu.memory_space<vmem>>, vector<16xi32>,
        tpu.vector_store_idx %arg16[%get3A_61], %broadcast_in_dim3A_37 {add = true} : memref<10240xf32, #tpu.memory_space<vmem>>[vector<16xi32>], vector<16xf32>,
        %get3A_62 = arith.index_cast %scan3A_46 : i32 to index
        %get3A_63 = arith.constant 80 : index
        %get3A_64 = tpu.vector_load %arg10[%get3A_62, %get3A_63] {strides = array<i32>} : memref<16x128xi32, #tpu.memory_space<vmem>>, vector<16xi32>,
        tpu.vector_store_idx %arg16[%get3A_64], %broadcast_in_dim3A_37 {add = true} : memref<10240xf32, #tpu.memory_space<vmem>>[vector<16xi32>], vector<16xf32>,
        %get3A_65 = arith.index_cast %scan3A_46 : i32 to index
        %get3A_66 = arith.constant 96 : index
        %get3A_67 = tpu.vector_load %arg10[%get3A_65, %get3A_66] {strides = array<i32>} : memref<16x128xi32, #tpu.memory_space<vmem>>, vector<16xi32>,
        tpu.vector_store_idx %arg16[%get3A_67], %broadcast_in_dim3A_37 {add = true} : memref<10240xf32, #tpu.memory_space<vmem>>[vector<16xi32>], vector<16xf32>,
        %get3A_68 = arith.index_cast %scan3A_46 : i32 to index
        %get3A_69 = arith.constant 112 : index
        %get3A_70 = tpu.vector_load %arg10[%get3A_68, %get3A_69] {strides = array<i32>} : memref<16x128xi32, #tpu.memory_space<vmem>>, vector<16xi32>,
        tpu.vector_store_idx %arg16[%get3A_70], %broadcast_in_dim3A_37 {add = true} : memref<10240xf32, #tpu.memory_space<vmem>>[vector<16xi32>], vector<16xf32>,
        %scan3A_71 = arith.constant 0 : i32
        scf.yield %scan3A_71 : i32
      }
      %scan3A_44 = arith.constant 16 : i32
      %scan3A_45 = arith.constant 0 : i32
      scf.yield %scan3A_45 : i32
    }
    %scan3A_8 = arith.constant 5 : i32
    "tpu.region"() ({
      %run_scoped3A = tpu.sem_alloc : memref<!tpu.dma_semaphore, #tpu.memory_space<semaphore_mem>>
      %dma_start3A = arith.constant 0 : i32
      %dma_start3A_16 = tpu.memref_slice %arg8[%add3A, %dma_start3A] : memref<32x10240xf32, #tpu.memory_space<hbm>> -> memref<1x10240xf32, #tpu.memory_space<hbm>>
      %dma_start3A_17 = tpu.memref_squeeze %dma_start3A_16 : memref<1x10240xf32, #tpu.memory_space<hbm>> -> memref<10240xf32, #tpu.memory_space<hbm>>
      %dma_start3A_18 = arith.constant 0 : i32
      %dma_start3A_19 = tpu.memref_slice %arg8[%add3A, %dma_start3A_18] : memref<32x10240xf32, #tpu.memory_space<hbm>> -> memref<1x10240xf32, #tpu.memory_space<hbm>>
      %dma_start3A_20 = tpu.memref_squeeze %dma_start3A_19 : memref<1x10240xf32, #tpu.memory_space<hbm>> -> memref<10240xf32, #tpu.memory_space<hbm>>
      tpu.enqueue_dma source(%arg16 : memref<10240xf32, #tpu.memory_space<vmem>>) target(%dma_start3A_20 : memref<10240xf32, #tpu.memory_space<hbm>>) target_semaphore(%run_scoped3A : memref<!tpu.dma_semaphore, #tpu.memory_space<semaphore_mem>>)
      %dma_wait3A = arith.constant 0 : i32
      %dma_wait3A_21 = tpu.memref_slice %arg8[%add3A, %dma_wait3A] : memref<32x10240xf32, #tpu.memory_space<hbm>> -> memref<1x10240xf32, #tpu.memory_space<hbm>>
      %dma_wait3A_22 = tpu.memref_squeeze %dma_wait3A_21 : memref<1x10240xf32, #tpu.memory_space<hbm>> -> memref<10240xf32, #tpu.memory_space<hbm>>
      %dma_wait3A_23 = arith.constant 0 : i32
      %dma_wait3A_24 = tpu.memref_slice %arg8[%add3A, %dma_wait3A_23] : memref<32x10240xf32, #tpu.memory_space<hbm>> -> memref<1x10240xf32, #tpu.memory_space<hbm>>
      %dma_wait3A_25 = tpu.memref_squeeze %dma_wait3A_24 : memref<1x10240xf32, #tpu.memory_space<hbm>> -> memref<10240xf32, #tpu.memory_space<hbm>>
      tpu.wait_dma2 semaphore(%run_scoped3A : memref<!tpu.dma_semaphore, #tpu.memory_space<semaphore_mem>>) src(%arg16 : memref<10240xf32, #tpu.memory_space<vmem>>) dst(%dma_wait3A_25 : memref<10240xf32, #tpu.memory_space<hbm>>)
      tpu.yield
    }) : () -> ()
    %barrier3A_9 = arith.constant 0 : index
    tpu.barrier barrier_id(%barrier3A_9)
    %mul3A_10 = arith.constant 10240 : i32
    %mul3A_11 = arith.muli %arg0, %mul3A_10 : i32
    %mul3A_12 = arith.constant 640 : i32
    %mul3A_13 = arith.muli %arg1, %mul3A_12 : i32
    %add3A_14 = arith.addi %mul3A_11, %mul3A_13 : i32
    %multiple_of3A_15 = tpu.assume_multiple %add3A_14, 640 : i32
    "tpu.region"() ({
      %run_scoped3A = tpu.sem_alloc : memref<!tpu.dma_semaphore, #tpu.memory_space<semaphore_mem>>
      %dma_start3A = arith.constant 0 : i32
      %dma_start3A_16 = tpu.memref_slice %arg7[%multiple_of3A_15, %dma_start3A] : memref<20480x128xf32, #tpu.memory_space<hbm>> -> memref<640x128xf32, #tpu.memory_space<hbm>>
      %dma_start3A_17 = arith.constant 0 : i32
      %dma_start3A_18 = tpu.memref_slice %arg13[%multiple_of3A, %dma_start3A_17] : memref<10240x128xf32, #tpu.memory_space<vmem_shared>> -> memref<640x128xf32, #tpu.memory_space<vmem_shared>>
      tpu.enqueue_dma source(%dma_start3A_18 : memref<640x128xf32, #tpu.memory_space<vmem_shared>>) target(%dma_start3A_16 : memref<640x128xf32, #tpu.memory_space<hbm>>) target_semaphore(%run_scoped3A : memref<!tpu.dma_semaphore, #tpu.memory_space<semaphore_mem>>)
      %dma_wait3A = arith.constant 0 : i32
      %dma_wait3A_19 = tpu.memref_slice %arg7[%multiple_of3A_15, %dma_wait3A] : memref<20480x128xf32, #tpu.memory_space<hbm>> -> memref<640x128xf32, #tpu.memory_space<hbm>>
      %dma_wait3A_20 = arith.constant 0 : i32
      %dma_wait3A_21 = tpu.memref_slice %arg13[%multiple_of3A, %dma_wait3A_20] : memref<10240x128xf32, #tpu.memory_space<vmem_shared>> -> memref<640x128xf32, #tpu.memory_space<vmem_shared>>
      tpu.wait_dma2 semaphore(%run_scoped3A : memref<!tpu.dma_semaphore, #tpu.memory_space<semaphore_mem>>) src(%dma_wait3A_21 : memref<640x128xf32, #tpu.memory_space<vmem_shared>>) dst(%dma_wait3A_19 : memref<640x128xf32, #tpu.memory_space<hbm>>)
      tpu.yield
    }) : () -> ()
    return
  }
}

module attributes {stable_mosaic.version = 14 : i64} {
  func.func @_prep_body(%arg0: i32, %arg1: memref<1024x128xf32, #tpu.memory_space<vmem>>, %arg2: memref<128x128xf32, #tpu.memory_space<vmem>>, %arg3: memref<1024x128xf32, #tpu.memory_space<vmem>>) attributes {dimension_semantics = [#tpu.dimension_semantics<arbitrary>], iteration_bounds = array<i64: 10>, scalar_prefetch = 0 : i64, scratch_operands = 0 : i64, tpu.core_type = #tpu.core_type<tc>, window_params = [{transform_indices = @transform_0, window_bounds = array<i64: 1024, 128>}, {pipeline_mode = #tpu.pipeline_mode<synchronous>, transform_indices = @transform_1, window_bounds = array<i64: 128, 128>}, {transform_indices = @transform_2, window_bounds = array<i64: 1024, 128>}]} {
    %get3A = arith.constant 0 : index
    %get3A_0 = arith.constant 0 : index
    %get3A_1 = vector.load %arg1[%get3A, %get3A_0] : memref<1024x128xf32, #tpu.memory_space<vmem>>, vector<1024x128xf32>
    %get3A_2 = arith.constant 0 : index
    %get3A_3 = arith.constant 0 : index
    %get3A_4 = vector.load %arg2[%get3A_2, %get3A_3] : memref<128x128xf32, #tpu.memory_space<vmem>>, vector<128x128xf32>
    %dot_general3A = arith.constant dense<0.000000e+00> : vector<1024x128xf32>
    %dot_general3A_5 = tpu.matmul %get3A_1, %get3A_4, %dot_general3A {dimension_numbers = #tpu.dot_dimension_numbers<[1], [0], [0], [1], [0, 0, 1, 1], [], []>, transpose_lhs_hint = false} : vector<1024x128xf32>, vector<128x128xf32>, vector<1024x128xf32> -> vector<1024x128xf32>
    %swap3A = arith.constant 0 : index
    %swap3A_6 = arith.constant 0 : index
    %swap3A_7 = vector.load %arg3[%swap3A, %swap3A_6] : memref<1024x128xf32, #tpu.memory_space<vmem>>, vector<1024x128xf32>
    tpu.vector_store %arg3[%swap3A, %swap3A_6], %dot_general3A_5 {strides = array<i32>} : memref<1024x128xf32, #tpu.memory_space<vmem>>, vector<1024x128xf32>,
    return
  }
  func.func @transform_0(%arg0: i32) -> (i32, i32) {
    %c0_i32 = arith.constant 0 : i32
    %c0_i32_0 = arith.constant 0 : i32
    return %arg0, %c0_i32 : i32, i32
  }
  func.func @transform_1(%arg0: i32) -> (i32, i32) {
    %c0_i32 = arith.constant 0 : i32
    %c0_i32_0 = arith.constant 0 : i32
    %c0_i32_1 = arith.constant 0 : i32
    return %c0_i32, %c0_i32_0 : i32, i32
  }
  func.func @transform_2(%arg0: i32) -> (i32, i32) {
    %c0_i32 = arith.constant 0 : i32
    %c0_i32_0 = arith.constant 0 : i32
    return %arg0, %c0_i32 : i32, i32
  }
}

module attributes {stable_mosaic.version = 14 : i64} {
  func.func @_mid_body(%arg0: i32, %arg1: memref<1024x128xf32, #tpu.memory_space<vmem>>, %arg2: memref<1024x128xf32, #tpu.memory_space<vmem>>, %arg3: memref<1024x128xf32, #tpu.memory_space<vmem>>, %arg4: memref<32x1024xf32, #tpu.memory_space<vmem>>, %arg5: memref<1x128xf32, #tpu.memory_space<vmem>>, %arg6: memref<128x128xf32, #tpu.memory_space<vmem>>, %arg7: memref<1024x128xf32, #tpu.memory_space<vmem>>) attributes {dimension_semantics = [#tpu.dimension_semantics<arbitrary>], iteration_bounds = array<i64: 10>, scalar_prefetch = 0 : i64, scratch_operands = 0 : i64, tpu.core_type = #tpu.core_type<tc>, window_params = [{transform_indices = @transform_0, window_bounds = array<i64: 1024, 128>}, {transform_indices = @transform_1, window_bounds = array<i64: 1024, 128>}, {transform_indices = @transform_2, window_bounds = array<i64: 1024, 128>}, {transform_indices = @transform_3, window_bounds = array<i64: 32, 1024>}, {pipeline_mode = #tpu.pipeline_mode<synchronous>, transform_indices = @transform_4, window_bounds = array<i64: 1, 128>}, {pipeline_mode = #tpu.pipeline_mode<synchronous>, transform_indices = @transform_5, window_bounds = array<i64: 128, 128>}, {transform_indices = @transform_6, window_bounds = array<i64: 1024, 128>}]} {
    %get3A = arith.constant 0 : index
    %get3A_0 = arith.constant 0 : index
    %get3A_1 = vector.load %arg1[%get3A, %get3A_0] : memref<1024x128xf32, #tpu.memory_space<vmem>>, vector<1024x128xf32>
    %get3A_2 = arith.constant 0 : index
    %get3A_3 = arith.constant 0 : index
    %get3A_4 = vector.load %arg2[%get3A_2, %get3A_3] : memref<1024x128xf32, #tpu.memory_space<vmem>>, vector<1024x128xf32>
    %add3A = arith.addf %get3A_1, %get3A_4 : vector<1024x128xf32>
    %get3A_5 = arith.constant 0 : index
    %get3A_6 = arith.constant 0 : index
    %get3A_7 = vector.load %arg3[%get3A_5, %get3A_6] : memref<1024x128xf32, #tpu.memory_space<vmem>>, vector<1024x128xf32>
    %add3A_8 = arith.addf %add3A, %get3A_7 : vector<1024x128xf32>
    %get3A_9 = arith.constant 0 : index
    %get3A_10 = arith.constant 0 : index
    %get3A_11 = vector.load %arg4[%get3A_9, %get3A_10] : memref<32x1024xf32, #tpu.memory_space<vmem>>, vector<32x1024xf32>
    %transpose3A = tpu.transpose %get3A_11, [1, 0] : vector<32x1024xf32> -> vector<1024x32xf32>
    %reduce_sum3A = arith.constant dense<0.000000e+00> : vector<1024xf32>
    %reduce_sum3A_12 = vector.multi_reduction <add>, %transpose3A, %reduce_sum3A [1] : vector<1024x32xf32> to vector<1024xf32>
    %broadcast_in_dim3A = vector.shape_cast %reduce_sum3A_12 : vector<1024xf32> to vector<1024x1xf32>
    %add3A_13 = arith.constant 1.000000e+00 : f32
    %add3A_14 = vector.broadcast %add3A_13 : f32 to vector<1024x1xf32>
    %add3A_15 = arith.addf %broadcast_in_dim3A, %add3A_14 : vector<1024x1xf32>
    %div3A = vector.broadcast %add3A_15 : vector<1024x1xf32> to vector<1024x128xf32>
    %div3A_16 = arith.divf %add3A_8, %div3A : vector<1024x128xf32>
    %get3A_17 = arith.constant 0 : index
    %get3A_18 = arith.constant 0 : index
    %get3A_19 = vector.load %arg5[%get3A_17, %get3A_18] : memref<1x128xf32, #tpu.memory_space<vmem>>, vector<1x128xf32>
    %add3A_20 = vector.broadcast %get3A_19 : vector<1x128xf32> to vector<1024x128xf32>
    %add3A_21 = arith.addf %div3A_16, %add3A_20 : vector<1024x128xf32>
    %max3A = arith.constant 0.000000e+00 : f32
    %max3A_22 = vector.broadcast %max3A : f32 to vector<1024x128xf32>
    %max3A_23 = arith.maximumf %add3A_21, %max3A_22 : vector<1024x128xf32>
    %get3A_24 = arith.constant 0 : index
    %get3A_25 = arith.constant 0 : index
    %get3A_26 = vector.load %arg6[%get3A_24, %get3A_25] : memref<128x128xf32, #tpu.memory_space<vmem>>, vector<128x128xf32>
    %dot_general3A = arith.constant dense<0.000000e+00> : vector<1024x128xf32>
    %dot_general3A_27 = tpu.matmul %max3A_23, %get3A_26, %dot_general3A {dimension_numbers = #tpu.dot_dimension_numbers<[1], [0], [0], [1], [0, 0, 1, 1], [], []>, transpose_lhs_hint = false} : vector<1024x128xf32>, vector<128x128xf32>, vector<1024x128xf32> -> vector<1024x128xf32>
    %swap3A = arith.constant 0 : index
    %swap3A_28 = arith.constant 0 : index
    %swap3A_29 = vector.load %arg7[%swap3A, %swap3A_28] : memref<1024x128xf32, #tpu.memory_space<vmem>>, vector<1024x128xf32>
    tpu.vector_store %arg7[%swap3A, %swap3A_28], %dot_general3A_27 {strides = array<i32>} : memref<1024x128xf32, #tpu.memory_space<vmem>>, vector<1024x128xf32>,
    return
  }
  func.func @transform_0(%arg0: i32) -> (i32, i32) {
    %c0_i32 = arith.constant 0 : i32
    %c0_i32_0 = arith.constant 0 : i32
    return %arg0, %c0_i32 : i32, i32
  }
  func.func @transform_1(%arg0: i32) -> (i32, i32) {
    %add3A = arith.constant 10 : i32
    %add3A_0 = arith.addi %arg0, %add3A : i32
    %c0_i32 = arith.constant 0 : i32
    %c0_i32_1 = arith.constant 0 : i32
    return %add3A_0, %c0_i32 : i32, i32
  }
  func.func @transform_2(%arg0: i32) -> (i32, i32) {
    %c0_i32 = arith.constant 0 : i32
    %c0_i32_0 = arith.constant 0 : i32
    return %arg0, %c0_i32 : i32, i32
  }
  func.func @transform_3(%arg0: i32) -> (i32, i32) {
    %c0_i32 = arith.constant 0 : i32
    %c0_i32_0 = arith.constant 0 : i32
    return %c0_i32, %arg0 : i32, i32
  }
  func.func @transform_4(%arg0: i32) -> (i32, i32) {
    %c0_i32 = arith.constant 0 : i32
    %c0_i32_0 = arith.constant 0 : i32
    %c0_i32_1 = arith.constant 0 : i32
    return %c0_i32, %c0_i32_0 : i32, i32
  }
  func.func @transform_5(%arg0: i32) -> (i32, i32) {
    %c0_i32 = arith.constant 0 : i32
    %c0_i32_0 = arith.constant 0 : i32
    %c0_i32_1 = arith.constant 0 : i32
    return %c0_i32, %c0_i32_0 : i32, i32
  }
  func.func @transform_6(%arg0: i32) -> (i32, i32) {
    %c0_i32 = arith.constant 0 : i32
    %c0_i32_0 = arith.constant 0 : i32
    return %arg0, %c0_i32 : i32, i32
  }
}

module attributes {stable_mosaic.version = 14 : i64} {
  func.func @_fin_body(%arg0: i32, %arg1: memref<1024x128xf32, #tpu.memory_space<vmem>>, %arg2: memref<1024x128xf32, #tpu.memory_space<vmem>>, %arg3: memref<1024x128xf32, #tpu.memory_space<vmem>>, %arg4: memref<32x1024xf32, #tpu.memory_space<vmem>>, %arg5: memref<1x128xf32, #tpu.memory_space<vmem>>, %arg6: memref<1024x128xf32, #tpu.memory_space<vmem>>) attributes {dimension_semantics = [#tpu.dimension_semantics<arbitrary>], iteration_bounds = array<i64: 10>, scalar_prefetch = 0 : i64, scratch_operands = 0 : i64, tpu.core_type = #tpu.core_type<tc>, window_params = [{transform_indices = @transform_0, window_bounds = array<i64: 1024, 128>}, {transform_indices = @transform_1, window_bounds = array<i64: 1024, 128>}, {transform_indices = @transform_2, window_bounds = array<i64: 1024, 128>}, {transform_indices = @transform_3, window_bounds = array<i64: 32, 1024>}, {pipeline_mode = #tpu.pipeline_mode<synchronous>, transform_indices = @transform_4, window_bounds = array<i64: 1, 128>}, {transform_indices = @transform_5, window_bounds = array<i64: 1024, 128>}]} {
    %get3A = arith.constant 0 : index
    %get3A_0 = arith.constant 0 : index
    %get3A_1 = vector.load %arg4[%get3A, %get3A_0] : memref<32x1024xf32, #tpu.memory_space<vmem>>, vector<32x1024xf32>
    %transpose3A = tpu.transpose %get3A_1, [1, 0] : vector<32x1024xf32> -> vector<1024x32xf32>
    %reduce_sum3A = arith.constant dense<0.000000e+00> : vector<1024xf32>
    %reduce_sum3A_2 = vector.multi_reduction <add>, %transpose3A, %reduce_sum3A [1] : vector<1024x32xf32> to vector<1024xf32>
    %broadcast_in_dim3A = vector.shape_cast %reduce_sum3A_2 : vector<1024xf32> to vector<1024x1xf32>
    %get3A_3 = arith.constant 0 : index
    %get3A_4 = arith.constant 0 : index
    %get3A_5 = vector.load %arg1[%get3A_3, %get3A_4] : memref<1024x128xf32, #tpu.memory_space<vmem>>, vector<1024x128xf32>
    %get3A_6 = arith.constant 0 : index
    %get3A_7 = arith.constant 0 : index
    %get3A_8 = vector.load %arg2[%get3A_6, %get3A_7] : memref<1024x128xf32, #tpu.memory_space<vmem>>, vector<1024x128xf32>
    %add3A = arith.addf %get3A_5, %get3A_8 : vector<1024x128xf32>
    %get3A_9 = arith.constant 0 : index
    %get3A_10 = arith.constant 0 : index
    %get3A_11 = vector.load %arg3[%get3A_9, %get3A_10] : memref<1024x128xf32, #tpu.memory_space<vmem>>, vector<1024x128xf32>
    %add3A_12 = arith.addf %add3A, %get3A_11 : vector<1024x128xf32>
    %add3A_13 = arith.constant 1.000000e+00 : f32
    %add3A_14 = vector.broadcast %add3A_13 : f32 to vector<1024x1xf32>
    %add3A_15 = arith.addf %broadcast_in_dim3A, %add3A_14 : vector<1024x1xf32>
    %div3A = vector.broadcast %add3A_15 : vector<1024x1xf32> to vector<1024x128xf32>
    %div3A_16 = arith.divf %add3A_12, %div3A : vector<1024x128xf32>
    %get3A_17 = arith.constant 0 : index
    %get3A_18 = arith.constant 0 : index
    %get3A_19 = vector.load %arg5[%get3A_17, %get3A_18] : memref<1x128xf32, #tpu.memory_space<vmem>>, vector<1x128xf32>
    %add3A_20 = vector.broadcast %get3A_19 : vector<1x128xf32> to vector<1024x128xf32>
    %add3A_21 = arith.addf %div3A_16, %add3A_20 : vector<1024x128xf32>
    %swap3A = arith.constant 0 : index
    %swap3A_22 = arith.constant 0 : index
    %swap3A_23 = vector.load %arg6[%swap3A, %swap3A_22] : memref<1024x128xf32, #tpu.memory_space<vmem>>, vector<1024x128xf32>
    tpu.vector_store %arg6[%swap3A, %swap3A_22], %add3A_21 {strides = array<i32>} : memref<1024x128xf32, #tpu.memory_space<vmem>>, vector<1024x128xf32>,
    return
  }
  func.func @transform_0(%arg0: i32) -> (i32, i32) {
    %c0_i32 = arith.constant 0 : i32
    %c0_i32_0 = arith.constant 0 : i32
    return %arg0, %c0_i32 : i32, i32
  }
  func.func @transform_1(%arg0: i32) -> (i32, i32) {
    %add3A = arith.constant 10 : i32
    %add3A_0 = arith.addi %arg0, %add3A : i32
    %c0_i32 = arith.constant 0 : i32
    %c0_i32_1 = arith.constant 0 : i32
    return %add3A_0, %c0_i32 : i32, i32
  }
  func.func @transform_2(%arg0: i32) -> (i32, i32) {
    %c0_i32 = arith.constant 0 : i32
    %c0_i32_0 = arith.constant 0 : i32
    return %arg0, %c0_i32 : i32, i32
  }
  func.func @transform_3(%arg0: i32) -> (i32, i32) {
    %c0_i32 = arith.constant 0 : i32
    %c0_i32_0 = arith.constant 0 : i32
    return %c0_i32, %arg0 : i32, i32
  }
  func.func @transform_4(%arg0: i32) -> (i32, i32) {
    %c0_i32 = arith.constant 0 : i32
    %c0_i32_0 = arith.constant 0 : i32
    %c0_i32_1 = arith.constant 0 : i32
    return %c0_i32, %c0_i32_0 : i32, i32
  }
  func.func @transform_5(%arg0: i32) -> (i32, i32) {
    %c0_i32 = arith.constant 0 : i32
    %c0_i32_0 = arith.constant 0 : i32
    return %arg0, %c0_i32 : i32, i32
  }
}

</mosaic_0001>

<sc_bundles>
// kernel: kernel.10.cloned.1.call-start
scs
__scs_entry_jumppad:
0x0: {  	(pc) =	sbr.rel $0x88, $3  }
0x1: {  	(tag) =	ssettag $0x0;
	lr =	simm.s32 $0x1  }
0x2: {  	[smem:$0x3F9B] =	sst lr;
	_ =	strace $0xD0000000  }
0x3: {  	_ = 	snop  }
0x4: {  	_ = 	snop  }
0x5: {  	_ = 	snop  }
0x6: {  	_ = 	snop  }
0x7: {  	_ = 	snop  }
__scs_overlays_trampoline_lowered:
0x8: {  	[smem:$0x3FAA] =	sst s0  }
0x9: {  	[smem:$0x3FAB] =	sst s1  }
0xa: {  	[smem:$0x3FAC] =	sst s2  }
0xb: {  	[smem:$0x3FAD] =	sst s3  }
0xc: {  	[smem:$0x3FAE] =	sst s4  }
0xd: {  	[smem:$0x3FAF] =	sst s5  }
0xe: {  	[smem:$0x3FB0] =	sst s6  }
0xf: {  	[smem:$0x3FB1] =	sst s7  }
0x10: {  	[smem:$0x3FB2] =	sst s8  }
0x11: {  	[smem:$0x3FB3] =	sst s9;
	s0 =	simm.s32 @!p0 $0x0  }
0x12: {  	s1 =	sld [smem:$0x3F99];
	s0 =	simm.s32 @p0 $0x1  }
0x13: {  	[smem:$0x3FB4] =	sst s0;
	s0 =	simm.s32 @!p1 $0x0  }
0x14: {  	s2 =	sld [smem:$0x3F98];
	s0 =	simm.s32 @p1 $0x1  }
0x15: {  	[smem:$0x3FB5] =	sst s0;
	s0 =	simm.s32 @!p2 $0x0  }
0x16: {  	s3 =	sld [smem:$0x3FDB];
	s0 =	simm.s32 @p2 $0x1  }
0x17: {  	s4 =	simm.s32 $0x1BF5;
	[smem:$0x3FB7] =	sst s0  }
0x18: {  	s0 =	sld [smem:$0x3F9A];
	_ =	swait.ge [sflag:s4], $0x0  }
0x19: {  	s7 =	sld [smem:$0x3F9B]  }
0x1a: {  	s8 =	sadd.s32 $0xFFFFE003, lr  }
0x1b: {  	s9 =	sadd.s32 $0xFFFFFEF7, lr;
	s5 =	simm.s32 $0xFFFFFFFF;
	p2 =	slt.u32 s8, $0xFFFFF086  }
0x1c: {  	p1 =	slt.u32 s9, $0xF7A;
	s5 =	simm.s32 @!p2 $0x0  }
0x1d: {  	s5 =	simm.s32 @p1 $0x1;
	p0 =	seq.s32 s7, s2  }
0x1e: {  	s7 =	smul.u32 @!p0 $0xF7A, s2;
	p2 =	seq.s32 @!p0 s5, $0x0  }
0x1f: {  	s9 =	smul.u32 $0xF7A, s1;
	s8 =	simm.s32 @!p0 $0x1BF5;
	p2 =	por !p2, p0  }
0x20: {  	[sflag:s8] =	ssyncset.s32 @!p0 $0xFFFFF086;
	s6 =	sadd.s32 @!p0 s3, s7;
	s7 =	simm.s32 @!p0 $0x108  }
0x21: {  	s3 =	sadd.s32 s3, s9;
	s6 =	sadd.s32 @!p0 $0x88, s6;
	s7 =	simm.s32 @p2 $0x1082  }
0x22: {  	[simem:s7], [sflag:s8] =	dma.local @!p0 [hbm:s6], $0xF7A  }
0x23: {  	s9 =	sor.u32 $0xD0000000, s2;
	s6 =	simm.s32 $0x108;
	_ =	swait.ge @!p0 [sflag:s8], $0x0  }
0x24: {  	s3 =	sadd.s32 $0x88, s3;
	s6 =	simm.s32 @!p1 $0x1082;
	[sflag:s4] =	ssyncset.s32 $0xFFFFF086  }
0x25: {  	[simem:s6], [sflag:s4] =	dma.local [hbm:s3], $0xF7A  }
0x26: {  	[smem:$0x3F9B] =	sst s1;
	(tag) =	ssettag s2;
	_ =	strace s9  }
0x27: {  	s1 =	sld [smem:$0x3FAB]  }
0x28: {  	s2 =	sld [smem:$0x3FAC]  }
0x29: {  	s4 =	sld [smem:$0x3FAE]  }
0x2a: {  	p0 =	seq.s32 s5, $0x0;
	s5 =	sld [smem:$0x3FAF]  }
0x2b: {  	s6 =	sld [smem:$0x3FB0]  }
0x2c: {  	s7 =	sld [smem:$0x3FB1]  }
0x2d: {  	s3 =	simm.s32 $0x108;
	s8 =	sld [smem:$0x3FB2]  }
0x2e: {  	s3 =	simm.s32 @!p0 $0x1082;
	s9 =	sld [smem:$0x3FB3]  }
0x2f: {  	lr =	sadd.s32 s0, s3;
	s0 =	sld [smem:$0x3FAA]  }
0x30: {  	s3 =	sld [smem:$0x3FAD]  }
0x31: {  	[smem:$0x3FB6] =	sst s10  }
0x32: {  	s10 =	sld [smem:$0x3FB4];
	_ =	sdelay $0x3  }
0x33: {  	p0 =	seq.s32 s10, $0x1;
	s10 =	sld [smem:$0x3FB6];
	_ =	sdelay $0x3  }
0x34: {  	[smem:$0x3FB6] =	sst s10  }
0x35: {  	s10 =	sld [smem:$0x3FB5];
	_ =	sdelay $0x3  }
0x36: {  	p1 =	seq.s32 s10, $0x1;
	s10 =	sld [smem:$0x3FB6];
	_ =	sdelay $0x3  }
0x37: {  	[smem:$0x3FB6] =	sst s10  }
0x38: {  	s10 =	sld [smem:$0x3FB7]  }
0x39: {  	_ = 	snop;
	(pc) =	sbr.ind lr, $3  }
0x3a: {  	_ = 	snop  }
0x3b: {  	_ = 	snop  }
0x3c: {  	p2 =	seq.s32 s10, $0x1;
	s10 =	sld [smem:$0x3FB6]  }
0x3d: {  	_ =	shalt  }
0x3e: {  	_ =	shalt  }
0x3f: {  	_ =	shalt  }
0x40: {  	_ =	shalt  }
0x41: {  	_ =	shalt  }
0x42: {  	_ =	shalt  }
0x43: {  	_ =	shalt  }
0x44: {  	_ =	shalt  }
0x45: {  	_ =	shalt  }
0x46: {  	_ =	shalt  }
0x47: {  	_ =	shalt  }
0x48: {  	_ =	shalt  }
0x49: {  	_ =	shalt  }
0x4a: {  	_ =	shalt  }
0x4b: {  	_ =	shalt  }
0x4c: {  	_ =	shalt  }
0x4d: {  	_ =	shalt  }
0x4e: {  	_ =	shalt  }
0x4f: {  	_ =	shalt  }
0x50: {  	_ =	shalt  }
0x51: {  	_ =	shalt  }
0x52: {  	_ =	shalt  }
0x53: {  	_ =	shalt  }
0x54: {  	_ =	shalt  }
0x55: {  	_ =	shalt  }
0x56: {  	_ =	shalt  }
0x57: {  	_ =	shalt  }
0x58: {  	_ =	shalt  }
0x59: {  	_ =	shalt  }
0x5a: {  	_ =	shalt  }
0x5b: {  	_ =	shalt  }
0x5c: {  	_ =	shalt  }
0x5d: {  	_ =	shalt  }
0x5e: {  	_ =	shalt  }
0x5f: {  	_ =	shalt  }
0x60: {  	_ =	shalt  }
0x61: {  	_ =	shalt  }
0x62: {  	_ =	shalt  }
0x63: {  	_ =	shalt  }
0x64: {  	_ =	shalt  }
0x65: {  	_ =	shalt  }
0x66: {  	_ =	shalt  }
0x67: {  	_ =	shalt  }
0x68: {  	_ =	shalt  }
0x69: {  	_ =	shalt  }
0x6a: {  	_ =	shalt  }
0x6b: {  	_ =	shalt  }
0x6c: {  	_ =	shalt  }
0x6d: {  	_ =	shalt  }
0x6e: {  	_ =	shalt  }
0x6f: {  	_ =	shalt  }
0x70: {  	_ =	shalt  }
0x71: {  	_ =	shalt  }
0x72: {  	_ =	shalt  }
0x73: {  	_ =	shalt  }
0x74: {  	_ =	shalt  }
0x75: {  	_ =	shalt  }
0x76: {  	_ =	shalt  }
0x77: {  	_ =	shalt  }
0x78: {  	_ =	shalt  }
0x79: {  	_ =	shalt  }
0x7a: {  	_ =	shalt  }
0x7b: {  	_ =	shalt  }
0x7c: {  	_ =	shalt  }
0x7d: {  	_ =	shalt  }
0x7e: {  	_ =	shalt  }
0x7f: {  	_ =	shalt  }
0x80: {  	_ =	shalt  }
0x81: {  	_ =	shalt  }
0x82: {  	_ =	shalt  }
0x83: {  	_ =	shalt  }
0x84: {  	_ =	shalt  }
0x85: {  	_ =	shalt  }
0x86: {  	_ =	shalt  }
0x87: {  	_ =	shalt  }
.Lfunc_end0:
.L_simem_size_0:
called_computation.1_lowered:
.L_overlay_start_0:
0x88: {  	s2 =	sld [smem:$0x3FD9]  }
0x89: {  	s3 =	sld [smem:$0x3FFE];
	_ =	sdelay $0x1  }
0x8a: {  	s1 =	srdreg.scid  }
0x8b: {  	s0 =	sand.u32 $0x1, s1  }
0x8c: {  	s17 =	sshll.u32 s0, $0xA;
	s2 =	sadd.s32 s3, s2  }
0x8d: {  	s2 =	sadd.s32 s2, s17  }
0x8e: {  	[smem:$0x3FC2] =	sst s2  }
0x8f: {  	_ = 	snop  }
0x90: {  	s2 =	sld [smem:$0x3FD0];
	(tm) =	ssettm $0x1  }
0x91: {  	s18 =	sld [smem:$0x3FFB];
	_ =	sdelay $0x3  }
0x92: {  	_ =	strace s18  }
0x93: {  	s3 =	sld [smem:$0x3FFC];
	_ =	sdelay $0x3  }
0x94: {  	_ =	strace s3  }
0x95: {  	s3 =	sld [smem:$0x3FFD];
	_ =	sdelay $0x3  }
0x96: {  	_ =	strace s3  }
0x97: {  	_ =	strace $0x8FFFFFFF  }
0x98: {  	s19 =	sld [smem:$0x3FDB];
	_ =	sdelay $0x1  }
0x99: {  	s4 =	simm.s32 $_scs_section_size  }
0x9a: {  	s5 =	simm.s32 $_size__tile_overlayer_lowered;
	s6 =	simm.s32 $_tile_overlayer_lowered  }
0x9b: {  	s22 =	simm.s32 $0x1BFF;
	s21 =	sshll.u32 s6, $0x1;
	s3 =	sadd.s32 s4, s19  }
0x9c: {  	s7 =	simm.s32 $0x0;
	s20 =	sshll.u32 s5, $0x1;
	s5 =	sadd.s32 s21, s3  }
0x9d: {  	[timem:s7], [sflag:s22] =	dma.local [hbm:s5], s20  }
0x9e: {  	_ =	swait.ge [sflag:s22], s20  }
0x9f: {  	s4 =	ssub.s32 $0x0, s20;
	[sflag:s22] =	ssyncset.done $0x0  }
0xa0: {  	[sflag:s22] =	ssyncadd.s32 s4;
	_ =	sdelay $0x1  }
0xa1: {  	s23 =	simm.s32 $0x1B8B  }
0xa2: {  	_ =	swait.ge [sflag:s23], $0x1  }
0xa3: {  	[sflag:s23] =	ssyncset.done $0x0  }
0xa4: {  	s25 =	simm.s32 $0x1B8E;
	s24 =	sld [smem:$0x3FFE];
	[sflag:s23] =	ssyncadd.s32 $0xFFFFFFFF  }
0xa5: {  	s26 =	simm.s32 $execute0_lowered;
	[smem:$0x3FD2] =	sst s25  }
0xa6: {  	s5 =	sshll.u32 s26, $0x1;
	_ =	strace $0x80000049;
	[dreg:$0x1] =	wrdreg $0xFFFFFFFF  }
0xa7: {  	s28 =	simm.s32 $_size_execute0_lowered;
	s3 =	sadd.s32 s3, s5;
	[dreg:$0x0] =	wrdreg $0x0  }
0xa8: {  	s5 =	sshll.u32 s28, $0x1;
	[dreg:$0x2] =	wrdreg s3  }
0xa9: {  	[dreg:$0x3] =	wrdreg s5  }
0xaa: {  	[dreg:$0x4] =	wrdreg $0xC0  }
0xab: {  	_ =	task [dreg:s7], $0x5FFFF  }
0xac: {  	[dreg:$0x1] =	wrdreg $0xFFFFFFFF  }
0xad: {  	[dreg:$0x0] =	wrdreg $0x60  }
0xae: {  	[dreg:$0x2] =	wrdreg s24  }
0xaf: {  	[dreg:$0x3] =	wrdreg s2  }
0xb0: {  	[dreg:$0x4] =	wrdreg $0x90000  }
0xb1: {  	[dreg:$0x5] =	wrdreg $0x9  }
0xb2: {  	_ =	task.clear_ibuf [dreg:s7], $0x6FFFF;
	_ =	strace $0x90000049  }
0xb3: {  	s29 =	simm.s32 $0x9;
	_ =	strace $0x8000004B  }
0xb4: {  	_ =	swait.ge [sflag:s29], $0x1  }
0xb5: {  	[sflag:s29] =	ssyncadd.s32 $0xFFFFFFFF  }
0xb6: {  	_ =	strace $0x9000004B  }
0xb7: {  	_ =	sfence  }
0xb8: {  	s30 =	sld [smem:$0x0];
	_ =	sdelay $0x2  }
0xb9: {  	s31 =	sshll.u32 s1, $0xD;
	s1 =	sshrl.u32 s1, $0x2  }
0xba: {  	s3 =	sand.u32 $0x4000, s31;
	s1 =	sadd.s32 s1, s30  }
0xbb: {  	s0 =	sor.u32 s3, s0;
	s1 =	sshll.u32 s1, $0x11  }
0xbc: {  	s0 =	sor.u32 s1, s0  }
0xbd: {  	s0 =	sadd.s32 $0x8F2B, s0  }
0xbe: {  	[sflag:s0] =	ssyncadd.remote.s32 $0x1  }
0xbf: {  	_ =	sfence.sel $0xFFFF  }
0xc0: {  	[dreg:$0x0] =	wrdreg $0xFFFFFFFF;
	(pc) =	sbr.abs _section_cstart, $3  }
0xc1: {  	[dreg:$0x1] =	wrdreg $0xFFFFFFFF  }
0xc2: {  	_ =	task.clear_ibuf [dreg:s7], $0x2FFFF;
	_ =	strace $0x9FFFFFFF  }
0xc3: {  	(tm) =	ssettm $0x7FFFFFFF  }
tec
execute0_lowered:
.L_overlay_start_1:
0x0: {  	(tag) =	ssettag $0x1  }
0x1: {  	s7 =	rddreg [dreg:$0x0]  }
0x2: {  	s2 =	rddreg [dreg:$0x1]  }
0x3: {  	s3 =	rddreg [dreg:$0x2]  }
0x4: {  	s0 =	rddreg [dreg:$0x3]  }
0x5: {  	s1 =	stileid.u32;
	s5 =	srdreg.scid;
	s4 =	simm.s32 $0x0  }
0x6: {  	s15 =	simm.s32 $0x2;
	s16 =	simm.s32 $0x80;
	s17 =	simm.s32 $0xF80  }
0x7: {  	s18 =	simm.s32 $0x5000;
	s8 =	sand.u32 $0x1, s5;
	s9 =	smul.u32 $0x280, s1  }
0x8: {  	[smem:$0x7FF] =	sst s4;
	s5 =	sadd.s32 $0x2600, s7;
	s11 =	smul.u32 $0x2800, s1  }
0x9: {  	s6 =	sadd.s32 $0x2A600, s7;
	s12 =	smul.u32 $0x50000, s1;
	s28 =	sshll.u32 s1, $0x1  }
0xa: {  	s31 =	sshll.u32 s1, $0x6;
	s10 =	smul.u32 $0x2800, s8;
	_ =	strace $0x8000004A  }
0xb: {  	s25 =	ssub.s32 $0x2, s8;
	s30 =	sor.u32 s8, s28;
	s8 =	sor.u32 $0x1C03, s31  }
0xc: {  	s11 =	sadd.s32 s11, s7;
	s29 =	sshrl.u32 s12, $0x2;
	s9 =	sadd.s32 s9, s10  }
0xd: {  	s26 =	sshrl.u32 s25, $0x1;
	s12 =	sadd.s32 s29, s3;
	s9 =	sshll.u32 s9, $0x4  }
0xe: {  	s14 =	ssub.s32 s25, s26;
	s12 =	sshrl.u32 s12, $0x3;
	s13 =	sadd.s32 s9, s7  }
0xf: {  	s7 =	sadd.s32 $0x34C00, s11;
	s9 =	smul.u32 $0x5, s30;
	s11 =	smax.u32 s14, $0x1  }
0x10: {  	s14 =	simm.s32 $0x1000;
	s10 =	sadd.s32 $0x5CC00, s13;
	s13 =	simm.s32 $0x3  }
.LBB2_1:
0x11: {  	[spmem:s12], [sflag:s8] =	dma.local [hbm:s7], $0x2800  }
0x12: {  	_ =	swait.ge [sflag:s13], $0x2800  }
0x13: {  	[sflag:s13] =	ssyncset.done $0x0  }
0x14: {  	[sflag:s13] =	ssyncadd.s32 $0xFFFFD800  }
0x15: {  	s19 =	simm.s32 $0x0;
	[bflag:$0x0] =	sbarrier.arrive $0xFFFF  }
.LBB2_2:
0x16: {  	s20 =	sadd.s32 s9, s19  }
0x17: {  	s20 =	sshll.u32 s20, $0x8  }
0x18: {  	s22 =	simm.s32 $0x0;
	s21 =	sadd.s32 s6, s20  }
0x19: {  	[tilespmem:s22], [sflag:$0x3] =	stream.linear.gather [hbm4b:s21+s22], $0x800, $0x38;
	[tilespmem:$0x1D000] =	vst v63  }
0x1a: {  	_ =	swait.ge [sflag:s13], $0x800  }
0x1b: {  	[sflag:s13] =	ssyncset.done $0x0  }
0x1c: {  	s20 =	sadd.s32 s2, s20;
	s21 =	simm.s32 $0x800;
	[sflag:s13] =	ssyncadd.s32 $0xFFFFF800  }
0x1d: {  	[tilespmem:s21], [sflag:$0x3] =	stream.linear.gather [hbm4b:s20+s22], $0x800, $0x38;
	[tilespmem:$0x1D000] =	vst v63  }
0x1e: {  	_ =	swait.ge [sflag:s13], $0x800  }
0x1f: {  	[sflag:s13] =	ssyncset.done $0x0  }
0x20: {  	s20 =	simm.s32 $0x80;
	[sflag:s13] =	ssyncadd.s32 $0xFFFFF800  }
0x21: {  	[tilespmem:s14], [sflag:$0x1] =	stream.indirect.gather [hbm4b:s5+s20], $0x80, s22, s20, $0xb8;
	[tilespmem:$0x1D000] =	vst v63  }
0x22: {  	s22 =	sand.u32 $0x1, s22  }
0x23: {  	p0 =	seq.s32 s22, $0x1  }
0x24: {  	s22 =	simm.s32 @p0 $0x80;
	s23 =	simm.s32 @p0 $0x1000  }
0x25: {  	[tilespmem:s23], [sflag:$0x1] =	stream.indirect.gather @p0 [hbm4b:s5+s22], $0x80, s20, s22, $0xb8;
	[tilespmem:$0x1D000] =	vst v63  }
0x26: {  	s24 =	simm.s32 @!p0 $0x80;
	s25 =	simm.s32 @p0 $0x2;
	s23 =	simm.s32 @!p0 $0x5000  }
0x27: {  	[tilespmem:s23], [sflag:$0x2] =	stream.indirect.gather @!p0 [hbm4b:s5+s24], $0x80, s20, s24, $0xb8;
	[tilespmem:$0x1D000] =	vst v63  }
0x28: {  	_ =	swait.ge @p0 [sflag:s25], $0x4000  }
0x29: {  	[sflag:s25] =	ssyncset.done @p0 $0x0  }
0x2a: {  	s26 =	simm.s32 @!p0 $0x1;
	s20 =	simm.s32 @p0 $0x5000;
	[sflag:s25] =	ssyncadd.s32 @p0 $0xFFFFC000  }
0x2b: {  	[spmem:s3] =	stream.indirect.scatter.add.f32 @p0 [tilespmem:s20], [sflag:$0x3], $0x80, s21, s22, $0xb8;
	[tilespmem:$0x1D000] =	vst v63  }
0x2c: {  	_ =	swait.ge @!p0 [sflag:s26], $0x4000  }
0x2d: {  	s31 =	simm.s32 $0x1;
	s23 =	simm.s32 @!p0 $0x4;
	[sflag:s26] =	ssyncset.done @!p0 $0x0  }
0x2e: {  	s23 =	simm.s32 @p0 $0x3;
	s25 =	simm.s32 @!p0 $0x1000;
	[sflag:s26] =	ssyncadd.s32 @!p0 $0xFFFFC000  }
0x2f: {  	[spmem:s3] =	stream.indirect.scatter.add.f32 @!p0 [tilespmem:s25], [sflag:$0x4], $0x80, s21, s24, $0xb8;
	[tilespmem:$0x1D000] =	vst v63  }
0x30: {  	s22 =	simm.s32 $0x2;
	s20 =	sand.u32 $0x1, s31;
	s21 =	simm.s32 $0x100  }
0x31: {  	p0 =	seq.s32 s20, $0x1;
	s20 =	simm.s32 $0x880;
	_ =	swait.ge [sflag:s23], $0x4000  }
.LBB2_3:
0x32: {  	s24 =	simm.s32 @p0 $0x80;
	s25 =	simm.s32 @p0 $0x1000;
	[sflag:s23] =	ssyncset.done $0x0  }
0x33: {  	s26 =	smov.u32 s22;
	s22 =	sadd.s32 $0x1, s22;
	[sflag:s23] =	ssyncadd.s32 $0xFFFFC000  }
0x34: {  	[tilespmem:s25], [sflag:$0x1] =	stream.indirect.gather @p0 [hbm4b:s5+s24], $0x80, s21, s24, $0xb8;
	[tilespmem:$0x1D000] =	vst v63  }
0x35: {  	s28 =	simm.s32 @p0 $0x2;
	s23 =	simm.s32 @!p0 $0x5000;
	s25 =	simm.s32 @!p0 $0x80  }
0x36: {  	[tilespmem:s23], [sflag:$0x2] =	stream.indirect.gather @!p0 [hbm4b:s5+s25], $0x80, s21, s25, $0xb8;
	[tilespmem:$0x1D000] =	vst v63  }
0x37: {  	p1 =	sne.s32 s22, $0xF;
	_ =	swait.ge @p0 [sflag:s28], $0x4000  }
0x38: {  	s29 =	simm.s32 @!p0 $0x1;
	s23 =	simm.s32 @p0 $0x5000;
	[sflag:s28] =	ssyncset.done @p0 $0x0  }
0x39: {  	[sflag:s28] =	ssyncadd.s32 @p0 $0xFFFFC000  }
0x3a: {  	[spmem:s3] =	stream.indirect.scatter.add.f32 @p0 [tilespmem:s23], [sflag:$0x3], $0x80, s20, s24, $0xb8;
	[tilespmem:$0x1D000] =	vst v63  }
.Ltmp0:
0x3b: {  	s21 =	sadd.s32 $0x80, s21;
	_ =	swait.ge @!p0 [sflag:s29], $0x4000;
	(pc) =	sbr.rel @p1 .LBB2_3-.Ltmp0, $4  }
0x3c: {  	s24 =	simm.s32 @!p0 $0x1000;
	s23 =	simm.s32 @!p0 $0x4;
	[sflag:s29] =	ssyncset.done @!p0 $0x0  }
0x3d: {  	s26 =	sand.u32 $0x1, s26;
	s23 =	simm.s32 @p0 $0x3;
	[sflag:s29] =	ssyncadd.s32 @!p0 $0xFFFFC000  }
0x3e: {  	[spmem:s3] =	stream.indirect.scatter.add.f32 @!p0 [tilespmem:s24], [sflag:$0x4], $0x80, s20, s25, $0xb8;
	[tilespmem:$0x1D000] =	vst v63  }
0x3f: {  	p0 =	seq.s32 s26, $0x1;
	s20 =	sadd.s32 $0x80, s20;
	_ =	swait.ge [sflag:s23], $0x4000  }
0x40: {  	[sflag:s23] =	ssyncset.done $0x0  }
0x41: {  	s22 =	simm.s32 @p0 $0x80;
	s24 =	simm.s32 @p0 $0x1000;
	[sflag:s23] =	ssyncadd.s32 $0xFFFFC000  }
0x42: {  	[tilespmem:s24], [sflag:$0x1] =	stream.indirect.gather @p0 [hbm4b:s5+s22], $0x80, s21, s22, $0xb8;
	[tilespmem:$0x1D000] =	vst v63  }
0x43: {  	s25 =	simm.s32 @p0 $0x2;
	s23 =	simm.s32 @!p0 $0x80;
	s24 =	simm.s32 @!p0 $0x5000  }
0x44: {  	[tilespmem:s24], [sflag:$0x2] =	stream.indirect.gather @!p0 [hbm4b:s5+s23], $0x80, s21, s23, $0xb8;
	[tilespmem:$0x1D000] =	vst v63  }
0x45: {  	_ =	swait.ge @p0 [sflag:s25], $0x4000  }
0x46: {  	[sflag:s25] =	ssyncset.done @p0 $0x0  }
0x47: {  	s21 =	simm.s32 @p0 $0x5000;
	s24 =	simm.s32 @!p0 $0x1;
	[sflag:s25] =	ssyncadd.s32 @p0 $0xFFFFC000  }
0x48: {  	[spmem:s3] =	stream.indirect.scatter.add.f32 @p0 [tilespmem:s21], [sflag:$0x3], $0x80, s20, s22, $0xb8;
	[tilespmem:$0x1D000] =	vst v63  }
0x49: {  	_ =	swait.ge @!p0 [sflag:s24], $0x4000  }
0x4a: {  	s21 =	simm.s32 @!p0 $0x4;
	[sflag:s24] =	ssyncset.done @!p0 $0x0  }
0x4b: {  	s22 =	simm.s32 @!p0 $0x1000;
	s21 =	simm.s32 @p0 $0x3;
	[sflag:s24] =	ssyncadd.s32 @!p0 $0xFFFFC000  }
0x4c: {  	[spmem:s3] =	stream.indirect.scatter.add.f32 @!p0 [tilespmem:s22], [sflag:$0x4], $0x80, s20, s23, $0xb8;
	[tilespmem:$0x1D000] =	vst v63  }
0x4d: {  	_ =	swait.ge [sflag:s21], $0x4000  }
0x4e: {  	[sflag:s21] =	ssyncset.done $0x0  }
0x4f: {  	[sflag:s21] =	ssyncadd.s32 $0xFFFFC000  }
0x50: {  	s19 =	sadd.s32 $0x1, s19;
	_ =	swait.ge [sflag:s15], $0x4000  }
0x51: {  	p0 =	sne.s32 s19, $0x5;
	[sflag:s15] =	ssyncset.done $0x0  }
.Ltmp1:
0x52: {  	[sflag:s15] =	ssyncadd.s32 $0xFFFFC000;
	(pc) =	sbr.rel @p0 .LBB2_2-.Ltmp1, $4  }
0x53: {  	[spmem:s3] =	stream.indirect.scatter.add.f32 [tilespmem:s18], [sflag:$0x3], $0x80, s17, s16, $0xb8;
	[tilespmem:$0x1D000] =	vst v63  }
0x54: {  	_ =	swait.ge [sflag:s13], $0x4000  }
0x55: {  	[sflag:s13] =	ssyncset.done $0x0  }
0x56: {  	[sflag:s13] =	ssyncadd.s32 $0xFFFFC000  }
0x57: {  	s4 =	sadd.s32 $0x1, s4  }
0x58: {  	p0 =	sne.s32 s4, s11  }
.Ltmp2:
0x59: {  	[bflag:$0x0] =	sbarrier.arrive $0xFFFF;
	(pc) =	sbr.rel @p0 .LBB2_1-.Ltmp2, $4  }
0x5a: {  	[hbm:s10], [sflag:s8] =	dma.local [spmem:s12], $0x2800  }
0x5b: {  	_ =	swait.ge [sflag:s13], $0x2800  }
0x5c: {  	[sflag:s13] =	ssyncset.done $0x0  }
0x5d: {  	[sflag:s13] =	ssyncadd.s32 $0xFFFFD800  }
0x5e: {  	_ =	sfence.sel $0x180000  }
0x5f: {  	[bflag:$0x0] =	sbarrier.arrive $0xFFFF  }
0x60: {  	p0 =	sne.s32 s1, $0x0;
	_ =	strace $0x9000004A  }
0x61: {  	s0 =	sadd.s32 @!p0 $0x100000, s0;
	[bflag:$0x2] =	sbarrier.arrive $0xFFFF  }
0x62: {  	[sflag:s0] =	ssyncadd.tile.s32 @!p0 $0x1;
	_ =	shalt  }
.Lfunc_end2:
_tile_overlayer_lowered:
.L_overlay_start_2:
0x63: {  	(tag) =	ssettag $0x2  }
0x64: {  	s0 =	rddreg [dreg:$0x0];
	s2 =	stileid.u32  }
0x65: {  	s1 =	rddreg [dreg:$0x1];
	p0 =	sne.s32 s2, $0x0  }
0x66: {  	s3 =	rddreg [dreg:$0x2];
	[bflag:$0x3] =	sbarrier.arrive $0xFFFF;
	s2 =	simm.s32 @!p0 $0x1C03  }
0x67: {  	[timem:s3], [sflag:s2] =	dma.local @!p0 [hbm:s0], s1  }
0x68: {  	s0 =	simm.s32 @!p0 $0x3  }
0x69: {  	_ =	swait.ge @!p0 [sflag:s0], s1  }
0x6a: {  	s1 =	ssub.s32 @!p0 $0x0, s1;
	[sflag:s0] =	ssyncset.done @!p0 $0x0  }
0x6b: {  	[sflag:s0] =	ssyncadd.s32 @!p0 s1  }
0x6c: {  	[bflag:$0x3] =	sbarrier.arrive $0xFFFF  }
0x6d: {  	_ =	shalt  }

// kernel: kernel.7.cloned.1.call-start
scs
__scs_entry_jumppad:
0x0: {  	(pc) =	sbr.rel $0x88, $3  }
0x1: {  	(tag) =	ssettag $0x0;
	lr =	simm.s32 $0x1  }
0x2: {  	[smem:$0x3F9B] =	sst lr;
	_ =	strace $0xD0000000  }
0x3: {  	_ = 	snop  }
0x4: {  	_ = 	snop  }
0x5: {  	_ = 	snop  }
0x6: {  	_ = 	snop  }
0x7: {  	_ = 	snop  }
__scs_overlays_trampoline_lowered:
0x8: {  	[smem:$0x3FAA] =	sst s0  }
0x9: {  	[smem:$0x3FAB] =	sst s1  }
0xa: {  	[smem:$0x3FAC] =	sst s2  }
0xb: {  	[smem:$0x3FAD] =	sst s3  }
0xc: {  	[smem:$0x3FAE] =	sst s4  }
0xd: {  	[smem:$0x3FAF] =	sst s5  }
0xe: {  	[smem:$0x3FB0] =	sst s6  }
0xf: {  	[smem:$0x3FB1] =	sst s7  }
0x10: {  	[smem:$0x3FB2] =	sst s8  }
0x11: {  	[smem:$0x3FB3] =	sst s9;
	s0 =	simm.s32 @!p0 $0x0  }
0x12: {  	s1 =	sld [smem:$0x3F99];
	s0 =	simm.s32 @p0 $0x1  }
0x13: {  	[smem:$0x3FB4] =	sst s0;
	s0 =	simm.s32 @!p1 $0x0  }
0x14: {  	s2 =	sld [smem:$0x3F98];
	s0 =	simm.s32 @p1 $0x1  }
0x15: {  	[smem:$0x3FB5] =	sst s0;
	s0 =	simm.s32 @!p2 $0x0  }
0x16: {  	s3 =	sld [smem:$0x3FDB];
	s0 =	simm.s32 @p2 $0x1  }
0x17: {  	s4 =	simm.s32 $0x1BF5;
	[smem:$0x3FB7] =	sst s0  }
0x18: {  	s0 =	sld [smem:$0x3F9A];
	_ =	swait.ge [sflag:s4], $0x0  }
0x19: {  	s7 =	sld [smem:$0x3F9B]  }
0x1a: {  	s8 =	sadd.s32 $0xFFFFE003, lr  }
0x1b: {  	s9 =	sadd.s32 $0xFFFFFEF7, lr;
	s5 =	simm.s32 $0xFFFFFFFF;
	p2 =	slt.u32 s8, $0xFFFFF086  }
0x1c: {  	p1 =	slt.u32 s9, $0xF7A;
	s5 =	simm.s32 @!p2 $0x0  }
0x1d: {  	s5 =	simm.s32 @p1 $0x1;
	p0 =	seq.s32 s7, s2  }
0x1e: {  	s7 =	smul.u32 @!p0 $0xF7A, s2;
	p2 =	seq.s32 @!p0 s5, $0x0  }
0x1f: {  	s9 =	smul.u32 $0xF7A, s1;
	s8 =	simm.s32 @!p0 $0x1BF5;
	p2 =	por !p2, p0  }
0x20: {  	[sflag:s8] =	ssyncset.s32 @!p0 $0xFFFFF086;
	s6 =	sadd.s32 @!p0 s3, s7;
	s7 =	simm.s32 @!p0 $0x108  }
0x21: {  	s3 =	sadd.s32 s3, s9;
	s6 =	sadd.s32 @!p0 $0x88, s6;
	s7 =	simm.s32 @p2 $0x1082  }
0x22: {  	[simem:s7], [sflag:s8] =	dma.local @!p0 [hbm:s6], $0xF7A  }
0x23: {  	s9 =	sor.u32 $0xD0000000, s2;
	s6 =	simm.s32 $0x108;
	_ =	swait.ge @!p0 [sflag:s8], $0x0  }
0x24: {  	s3 =	sadd.s32 $0x88, s3;
	s6 =	simm.s32 @!p1 $0x1082;
	[sflag:s4] =	ssyncset.s32 $0xFFFFF086  }
0x25: {  	[simem:s6], [sflag:s4] =	dma.local [hbm:s3], $0xF7A  }
0x26: {  	[smem:$0x3F9B] =	sst s1;
	(tag) =	ssettag s2;
	_ =	strace s9  }
0x27: {  	s1 =	sld [smem:$0x3FAB]  }
0x28: {  	s2 =	sld [smem:$0x3FAC]  }
0x29: {  	s4 =	sld [smem:$0x3FAE]  }
0x2a: {  	p0 =	seq.s32 s5, $0x0;
	s5 =	sld [smem:$0x3FAF]  }
0x2b: {  	s6 =	sld [smem:$0x3FB0]  }
0x2c: {  	s7 =	sld [smem:$0x3FB1]  }
0x2d: {  	s3 =	simm.s32 $0x108;
	s8 =	sld [smem:$0x3FB2]  }
0x2e: {  	s3 =	simm.s32 @!p0 $0x1082;
	s9 =	sld [smem:$0x3FB3]  }
0x2f: {  	lr =	sadd.s32 s0, s3;
	s0 =	sld [smem:$0x3FAA]  }
0x30: {  	s3 =	sld [smem:$0x3FAD]  }
0x31: {  	[smem:$0x3FB6] =	sst s10  }
0x32: {  	s10 =	sld [smem:$0x3FB4];
	_ =	sdelay $0x3  }
0x33: {  	p0 =	seq.s32 s10, $0x1;
	s10 =	sld [smem:$0x3FB6];
	_ =	sdelay $0x3  }
0x34: {  	[smem:$0x3FB6] =	sst s10  }
0x35: {  	s10 =	sld [smem:$0x3FB5];
	_ =	sdelay $0x3  }
0x36: {  	p1 =	seq.s32 s10, $0x1;
	s10 =	sld [smem:$0x3FB6];
	_ =	sdelay $0x3  }
0x37: {  	[smem:$0x3FB6] =	sst s10  }
0x38: {  	s10 =	sld [smem:$0x3FB7]  }
0x39: {  	_ = 	snop;
	(pc) =	sbr.ind lr, $3  }
0x3a: {  	_ = 	snop  }
0x3b: {  	_ = 	snop  }
0x3c: {  	p2 =	seq.s32 s10, $0x1;
	s10 =	sld [smem:$0x3FB6]  }
0x3d: {  	_ =	shalt  }
0x3e: {  	_ =	shalt  }
0x3f: {  	_ =	shalt  }
0x40: {  	_ =	shalt  }
0x41: {  	_ =	shalt  }
0x42: {  	_ =	shalt  }
0x43: {  	_ =	shalt  }
0x44: {  	_ =	shalt  }
0x45: {  	_ =	shalt  }
0x46: {  	_ =	shalt  }
0x47: {  	_ =	shalt  }
0x48: {  	_ =	shalt  }
0x49: {  	_ =	shalt  }
0x4a: {  	_ =	shalt  }
0x4b: {  	_ =	shalt  }
0x4c: {  	_ =	shalt  }
0x4d: {  	_ =	shalt  }
0x4e: {  	_ =	shalt  }
0x4f: {  	_ =	shalt  }
0x50: {  	_ =	shalt  }
0x51: {  	_ =	shalt  }
0x52: {  	_ =	shalt  }
0x53: {  	_ =	shalt  }
0x54: {  	_ =	shalt  }
0x55: {  	_ =	shalt  }
0x56: {  	_ =	shalt  }
0x57: {  	_ =	shalt  }
0x58: {  	_ =	shalt  }
0x59: {  	_ =	shalt  }
0x5a: {  	_ =	shalt  }
0x5b: {  	_ =	shalt  }
0x5c: {  	_ =	shalt  }
0x5d: {  	_ =	shalt  }
0x5e: {  	_ =	shalt  }
0x5f: {  	_ =	shalt  }
0x60: {  	_ =	shalt  }
0x61: {  	_ =	shalt  }
0x62: {  	_ =	shalt  }
0x63: {  	_ =	shalt  }
0x64: {  	_ =	shalt  }
0x65: {  	_ =	shalt  }
0x66: {  	_ =	shalt  }
0x67: {  	_ =	shalt  }
0x68: {  	_ =	shalt  }
0x69: {  	_ =	shalt  }
0x6a: {  	_ =	shalt  }
0x6b: {  	_ =	shalt  }
0x6c: {  	_ =	shalt  }
0x6d: {  	_ =	shalt  }
0x6e: {  	_ =	shalt  }
0x6f: {  	_ =	shalt  }
0x70: {  	_ =	shalt  }
0x71: {  	_ =	shalt  }
0x72: {  	_ =	shalt  }
0x73: {  	_ =	shalt  }
0x74: {  	_ =	shalt  }
0x75: {  	_ =	shalt  }
0x76: {  	_ =	shalt  }
0x77: {  	_ =	shalt  }
0x78: {  	_ =	shalt  }
0x79: {  	_ =	shalt  }
0x7a: {  	_ =	shalt  }
0x7b: {  	_ =	shalt  }
0x7c: {  	_ =	shalt  }
0x7d: {  	_ =	shalt  }
0x7e: {  	_ =	shalt  }
0x7f: {  	_ =	shalt  }
0x80: {  	_ =	shalt  }
0x81: {  	_ =	shalt  }
0x82: {  	_ =	shalt  }
0x83: {  	_ =	shalt  }
0x84: {  	_ =	shalt  }
0x85: {  	_ =	shalt  }
0x86: {  	_ =	shalt  }
0x87: {  	_ =	shalt  }
.Lfunc_end0:
.L_simem_size_0:
called_computation_lowered:
.L_overlay_start_0:
0x88: {  	s2 =	sld [smem:$0x3FD9]  }
0x89: {  	s3 =	sld [smem:$0x3FFE];
	_ =	sdelay $0x1  }
0x8a: {  	s1 =	srdreg.scid  }
0x8b: {  	s0 =	sand.u32 $0x1, s1  }
0x8c: {  	s17 =	sshll.u32 s0, $0xA;
	s2 =	sadd.s32 s3, s2  }
0x8d: {  	s2 =	sadd.s32 s2, s17  }
0x8e: {  	[smem:$0x3FC2] =	sst s2  }
0x8f: {  	_ = 	snop  }
0x90: {  	s2 =	sld [smem:$0x3FD0];
	(tm) =	ssettm $0x1  }
0x91: {  	s18 =	sld [smem:$0x3FFB];
	_ =	sdelay $0x3  }
0x92: {  	_ =	strace s18  }
0x93: {  	s3 =	sld [smem:$0x3FFC];
	_ =	sdelay $0x3  }
0x94: {  	_ =	strace s3  }
0x95: {  	s3 =	sld [smem:$0x3FFD];
	_ =	sdelay $0x3  }
0x96: {  	_ =	strace s3  }
0x97: {  	_ =	strace $0x8FFFFFFF  }
0x98: {  	s19 =	sld [smem:$0x3FDB];
	_ =	sdelay $0x1  }
0x99: {  	s4 =	simm.s32 $_scs_section_size  }
0x9a: {  	s5 =	simm.s32 $_size__tile_overlayer_lowered;
	s6 =	simm.s32 $_tile_overlayer_lowered  }
0x9b: {  	s22 =	simm.s32 $0x1BFF;
	s21 =	sshll.u32 s6, $0x1;
	s3 =	sadd.s32 s4, s19  }
0x9c: {  	s7 =	simm.s32 $0x0;
	s20 =	sshll.u32 s5, $0x1;
	s5 =	sadd.s32 s21, s3  }
0x9d: {  	[timem:s7], [sflag:s22] =	dma.local [hbm:s5], s20  }
0x9e: {  	_ =	swait.ge [sflag:s22], s20  }
0x9f: {  	s4 =	ssub.s32 $0x0, s20;
	[sflag:s22] =	ssyncset.done $0x0  }
0xa0: {  	[sflag:s22] =	ssyncadd.s32 s4;
	_ =	sdelay $0x1  }
0xa1: {  	s23 =	simm.s32 $0x1B8B  }
0xa2: {  	_ =	swait.ge [sflag:s23], $0x1  }
0xa3: {  	[sflag:s23] =	ssyncset.done $0x0  }
0xa4: {  	s25 =	simm.s32 $0x1B8E;
	s24 =	sld [smem:$0x3FFE];
	[sflag:s23] =	ssyncadd.s32 $0xFFFFFFFF  }
0xa5: {  	s26 =	simm.s32 $execute0_lowered;
	[smem:$0x3FD2] =	sst s25  }
0xa6: {  	s5 =	sshll.u32 s26, $0x1;
	_ =	strace $0x80000046;
	[dreg:$0x1] =	wrdreg $0xFFFFFFFF  }
0xa7: {  	s28 =	simm.s32 $_size_execute0_lowered;
	s3 =	sadd.s32 s3, s5;
	[dreg:$0x0] =	wrdreg $0x0  }
0xa8: {  	s5 =	sshll.u32 s28, $0x1;
	[dreg:$0x2] =	wrdreg s3  }
0xa9: {  	[dreg:$0x3] =	wrdreg s5  }
0xaa: {  	[dreg:$0x4] =	wrdreg $0xC0  }
0xab: {  	_ =	task [dreg:s7], $0x5FFFF  }
0xac: {  	[dreg:$0x1] =	wrdreg $0xFFFFFFFF  }
0xad: {  	[dreg:$0x0] =	wrdreg $0x60  }
0xae: {  	[dreg:$0x2] =	wrdreg s24  }
0xaf: {  	[dreg:$0x3] =	wrdreg s2  }
0xb0: {  	[dreg:$0x4] =	wrdreg $0x90000  }
0xb1: {  	[dreg:$0x5] =	wrdreg $0x9  }
0xb2: {  	_ =	task.clear_ibuf [dreg:s7], $0x6FFFF;
	_ =	strace $0x90000046  }
0xb3: {  	s29 =	simm.s32 $0x9;
	_ =	strace $0x80000048  }
0xb4: {  	_ =	swait.ge [sflag:s29], $0x1  }
0xb5: {  	[sflag:s29] =	ssyncadd.s32 $0xFFFFFFFF  }
0xb6: {  	_ =	strace $0x90000048  }
0xb7: {  	_ =	sfence  }
0xb8: {  	s30 =	sld [smem:$0x0];
	_ =	sdelay $0x2  }
0xb9: {  	s31 =	sshll.u32 s1, $0xD;
	s1 =	sshrl.u32 s1, $0x2  }
0xba: {  	s3 =	sand.u32 $0x4000, s31;
	s1 =	sadd.s32 s1, s30  }
0xbb: {  	s0 =	sor.u32 s3, s0;
	s1 =	sshll.u32 s1, $0x11  }
0xbc: {  	s0 =	sor.u32 s1, s0  }
0xbd: {  	s0 =	sadd.s32 $0x8F2B, s0  }
0xbe: {  	[sflag:s0] =	ssyncadd.remote.s32 $0x1  }
0xbf: {  	_ =	sfence.sel $0xFFFF  }
0xc0: {  	[dreg:$0x0] =	wrdreg $0xFFFFFFFF;
	(pc) =	sbr.abs _section_cstart, $3  }
0xc1: {  	[dreg:$0x1] =	wrdreg $0xFFFFFFFF  }
0xc2: {  	_ =	task.clear_ibuf [dreg:s7], $0x2FFFF;
	_ =	strace $0x9FFFFFFF  }
0xc3: {  	(tm) =	ssettm $0x7FFFFFFF  }
tec
execute0_lowered:
.L_overlay_start_1:
0x0: {  	(tag) =	ssettag $0x1  }
0x1: {  	s8 =	rddreg [dreg:$0x0]  }
0x2: {  	s1 =	rddreg [dreg:$0x1]  }
0x3: {  	s3 =	rddreg [dreg:$0x2]  }
0x4: {  	s0 =	simm.s32 $0x0;
	s23 =	stileid.u32;
	s6 =	srdreg.scid  }
0x5: {  	s18 =	simm.s32 $0x2;
	s19 =	simm.s32 $0x80;
	s20 =	simm.s32 $0xF80  }
0x6: {  	s21 =	simm.s32 $0x5000;
	s22 =	simm.s32 $0x400;
	[smem:$0x7FF] =	sst s0  }
0x7: {  	s7 =	smul.u32 $0x2800, s23;
	s5 =	sadd.s32 $0x2600, s8;
	s9 =	sand.u32 $0x1, s6  }
0x8: {  	s10 =	smul.u32 $0x280, s23;
	s6 =	sadd.s32 $0x2A600, s8;
	s12 =	sshll.u32 s23, $0x1  }
0x9: {  	s24 =	sshrl.u32 s23, $0x2;
	s26 =	smul.u32 $0x50000, s23;
	s31 =	sshll.u32 s23, $0x6  }
0xa: {  	s23 =	simm.s32 $0x0;
	_ =	strace $0x80000047;
	s11 =	smul.u32 $0x2800, s9  }
0xb: {  	s12 =	sor.u32 s9, s12;
	s25 =	smul.u32 $0x14000, s24;
	s9 =	ssub.s32 $0x2, s9  }
0xc: {  	s13 =	sadd.s32 s7, s8;
	s14 =	sshll.u32 s12, $0x7;
	s7 =	sadd.s32 $0x34600, s8  }
0xd: {  	s29 =	sshrl.u32 s9, $0x1;
	s30 =	sshrl.u32 s26, $0x2;
	s10 =	sadd.s32 s10, s11  }
0xe: {  	s14 =	sand.u32 $0x380, s14;
	s17 =	ssub.s32 s9, s29;
	s9 =	sor.u32 $0x1C03, s31  }
0xf: {  	s10 =	sshll.u32 s10, $0x4;
	s11 =	sor.u32 s25, s14;
	s14 =	sadd.s32 s30, s3  }
0x10: {  	s15 =	sadd.s32 s10, s8;
	s28 =	sshrl.u32 s11, $0x3;
	s10 =	smul.u32 $0x5, s12  }
0x11: {  	s14 =	sshrl.u32 s14, $0x3;
	s16 =	sadd.s32 s28, s8;
	s8 =	sadd.s32 $0x34C00, s13  }
0x12: {  	s12 =	sadd.s32 $0x5CC00, s15;
	s13 =	smax.u32 s17, $0x1;
	s15 =	simm.s32 $0x3  }
0x13: {  	v0 =	vimm.f32 $1.000000000e+00;
	s17 =	simm.s32 $0x1000;
	s11 =	sadd.s32 $0xACC00, s16;
	s16 =	simm.s32 $0x1D000  }
.LBB2_1:
0x14: {  	[spmem:s14], [sflag:s9] =	dma.local [hbm:s8], $0x2800  }
0x15: {  	_ =	swait.ge [sflag:s15], $0x2800  }
0x16: {  	[sflag:s15] =	ssyncset.done $0x0  }
0x17: {  	s0 =	simm.s32 $0x0;
	[sflag:s15] =	ssyncadd.s32 $0xFFFFD800  }
0x18: {  	[tilespmem:s16], [sflag:$0x3] =	stream.linear.gather [hbm4b:s7+s0], $0x2800, $0x38;
	[tilespmem:$0x1F800] =	vst v63  }
0x19: {  	_ =	swait.ge [sflag:s15], $0x2800  }
0x1a: {  	[sflag:s15] =	ssyncset.done $0x0  }
0x1b: {  	[sflag:s15] =	ssyncadd.s32 $0xFFFFD800  }
0x1c: {  	s24 =	simm.s32 $0x0;
	[bflag:$0x0] =	sbarrier.arrive $0xFFFF  }
.LBB2_2:
0x1d: {  	s25 =	sadd.s32 s10, s24  }
0x1e: {  	s25 =	sshll.u32 s25, $0x8  }
0x1f: {  	s28 =	simm.s32 $0x0;
	s26 =	sadd.s32 s6, s25  }
0x20: {  	[tilespmem:s28], [sflag:$0x3] =	stream.linear.gather [hbm4b:s26+s28], $0x800, $0x38;
	[tilespmem:$0x1F800] =	vst v63  }
0x21: {  	_ =	swait.ge [sflag:s15], $0x800  }
0x22: {  	[sflag:s15] =	ssyncset.done $0x0  }
0x23: {  	s25 =	sadd.s32 s1, s25;
	s26 =	simm.s32 $0x800;
	[sflag:s15] =	ssyncadd.s32 $0xFFFFF800  }
0x24: {  	[tilespmem:s26], [sflag:$0x3] =	stream.linear.gather [hbm4b:s25+s28], $0x800, $0x38;
	[tilespmem:$0x1F800] =	vst v63  }
0x25: {  	_ =	swait.ge [sflag:s15], $0x800  }
0x26: {  	[sflag:s15] =	ssyncset.done $0x0  }
0x27: {  	s25 =	simm.s32 $0x80;
	[sflag:s15] =	ssyncadd.s32 $0xFFFFF800  }
0x28: {  	[tilespmem:s17], [sflag:$0x1] =	stream.indirect.gather [hbm4b:s5+s25], $0x80, s28, s25, $0xb8;
	[tilespmem:$0x1F800] =	vst v63  }
0x29: {  	s28 =	sand.u32 $0x1, s28  }
0x2a: {  	p0 =	seq.s32 s28, $0x1  }
0x2b: {  	s28 =	simm.s32 @p0 $0x80;
	s29 =	simm.s32 @p0 $0x1000  }
0x2c: {  	[tilespmem:s29], [sflag:$0x1] =	stream.indirect.gather @p0 [hbm4b:s5+s28], $0x80, s25, s28, $0xb8;
	[tilespmem:$0x1F800] =	vst v63  }
0x2d: {  	s30 =	simm.s32 @!p0 $0x80;
	s31 =	simm.s32 @p0 $0x2;
	s29 =	simm.s32 @!p0 $0x5000  }
0x2e: {  	[tilespmem:s29], [sflag:$0x2] =	stream.indirect.gather @!p0 [hbm4b:s5+s30], $0x80, s25, s30, $0xb8;
	[tilespmem:$0x1F800] =	vst v63  }
0x2f: {  	_ =	swait.ge @p0 [sflag:s31], $0x4000  }
0x30: {  	[sflag:s31] =	ssyncset.done @p0 $0x0  }
0x31: {  	s0 =	simm.s32 @!p0 $0x1;
	s25 =	simm.s32 @p0 $0x5000;
	[sflag:s31] =	ssyncadd.s32 @p0 $0xFFFFC000  }
0x32: {  	[spmem:s3] =	stream.indirect.scatter.add.f32 @p0 [tilespmem:s25], [sflag:$0x3], $0x80, s26, s28, $0xb8;
	[tilespmem:$0x1F800] =	vst v63  }
0x33: {  	_ =	swait.ge @!p0 [sflag:s0], $0x4000  }
0x34: {  	s4 =	simm.s32 $0x1;
	s29 =	simm.s32 @!p0 $0x4;
	[sflag:s0] =	ssyncset.done @!p0 $0x0  }
0x35: {  	s29 =	simm.s32 @p0 $0x3;
	s31 =	simm.s32 @!p0 $0x1000;
	[sflag:s0] =	ssyncadd.s32 @!p0 $0xFFFFC000  }
0x36: {  	[spmem:s3] =	stream.indirect.scatter.add.f32 @!p0 [tilespmem:s31], [sflag:$0x4], $0x80, s26, s30, $0xb8;
	[tilespmem:$0x1F800] =	vst v63  }
0x37: {  	s28 =	simm.s32 $0x2;
	s25 =	simm.s32 $0x880;
	s31 =	sand.u32 $0x1, s4  }
0x38: {  	s26 =	simm.s32 $0x100;
	p0 =	seq.s32 s31, $0x1;
	_ =	swait.ge [sflag:s29], $0x4000  }
.LBB2_3:
0x39: {  	s0 =	simm.s32 @p0 $0x80;
	s30 =	simm.s32 @p0 $0x1000;
	[sflag:s29] =	ssyncset.done $0x0  }
0x3a: {  	s31 =	smov.u32 s28;
	s28 =	sadd.s32 $0x1, s28;
	[sflag:s29] =	ssyncadd.s32 $0xFFFFC000  }
0x3b: {  	[tilespmem:s30], [sflag:$0x1] =	stream.indirect.gather @p0 [hbm4b:s5+s0], $0x80, s26, s0, $0xb8;
	[tilespmem:$0x1F800] =	vst v63  }
0x3c: {  	s2 =	simm.s32 @p0 $0x2;
	s29 =	simm.s32 @!p0 $0x5000;
	s30 =	simm.s32 @!p0 $0x80  }
0x3d: {  	[tilespmem:s29], [sflag:$0x2] =	stream.indirect.gather @!p0 [hbm4b:s5+s30], $0x80, s26, s30, $0xb8;
	[tilespmem:$0x1F800] =	vst v63  }
0x3e: {  	p1 =	sne.s32 s28, $0xF;
	_ =	swait.ge @p0 [sflag:s2], $0x4000  }
0x3f: {  	s4 =	simm.s32 @!p0 $0x1;
	s29 =	simm.s32 @p0 $0x5000;
	[sflag:s2] =	ssyncset.done @p0 $0x0  }
0x40: {  	[sflag:s2] =	ssyncadd.s32 @p0 $0xFFFFC000  }
0x41: {  	[spmem:s3] =	stream.indirect.scatter.add.f32 @p0 [tilespmem:s29], [sflag:$0x3], $0x80, s25, s0, $0xb8;
	[tilespmem:$0x1F800] =	vst v63  }
.Ltmp0:
0x42: {  	s26 =	sadd.s32 $0x80, s26;
	_ =	swait.ge @!p0 [sflag:s4], $0x4000;
	(pc) =	sbr.rel @p1 .LBB2_3-.Ltmp0, $4  }
0x43: {  	s0 =	simm.s32 @!p0 $0x1000;
	s29 =	simm.s32 @!p0 $0x4;
	[sflag:s4] =	ssyncset.done @!p0 $0x0  }
0x44: {  	s2 =	sand.u32 $0x1, s31;
	s29 =	simm.s32 @p0 $0x3;
	[sflag:s4] =	ssyncadd.s32 @!p0 $0xFFFFC000  }
0x45: {  	[spmem:s3] =	stream.indirect.scatter.add.f32 @!p0 [tilespmem:s0], [sflag:$0x4], $0x80, s25, s30, $0xb8;
	[tilespmem:$0x1F800] =	vst v63  }
0x46: {  	p0 =	seq.s32 s2, $0x1;
	s25 =	sadd.s32 $0x80, s25;
	_ =	swait.ge [sflag:s29], $0x4000  }
0x47: {  	[sflag:s29] =	ssyncset.done $0x0  }
0x48: {  	s0 =	simm.s32 @p0 $0x80;
	s2 =	simm.s32 @p0 $0x1000;
	[sflag:s29] =	ssyncadd.s32 $0xFFFFC000  }
0x49: {  	[tilespmem:s2], [sflag:$0x1] =	stream.indirect.gather @p0 [hbm4b:s5+s0], $0x80, s26, s0, $0xb8;
	[tilespmem:$0x1F800] =	vst v63  }
0x4a: {  	s4 =	simm.s32 @!p0 $0x5000;
	s28 =	simm.s32 @p0 $0x2;
	s2 =	simm.s32 @!p0 $0x80  }
0x4b: {  	[tilespmem:s4], [sflag:$0x2] =	stream.indirect.gather @!p0 [hbm4b:s5+s2], $0x80, s26, s2, $0xb8;
	[tilespmem:$0x1F800] =	vst v63  }
0x4c: {  	_ =	swait.ge @p0 [sflag:s28], $0x4000  }
0x4d: {  	[sflag:s28] =	ssyncset.done @p0 $0x0  }
0x4e: {  	s4 =	simm.s32 @p0 $0x5000;
	s26 =	simm.s32 @!p0 $0x1;
	[sflag:s28] =	ssyncadd.s32 @p0 $0xFFFFC000  }
0x4f: {  	[spmem:s3] =	stream.indirect.scatter.add.f32 @p0 [tilespmem:s4], [sflag:$0x3], $0x80, s25, s0, $0xb8;
	[tilespmem:$0x1F800] =	vst v63  }
0x50: {  	_ =	swait.ge @!p0 [sflag:s26], $0x4000  }
0x51: {  	s0 =	simm.s32 @!p0 $0x4;
	[sflag:s26] =	ssyncset.done @!p0 $0x0  }
0x52: {  	s4 =	simm.s32 @!p0 $0x1000;
	s0 =	simm.s32 @p0 $0x3;
	[sflag:s26] =	ssyncadd.s32 @!p0 $0xFFFFC000  }
0x53: {  	[spmem:s3] =	stream.indirect.scatter.add.f32 @!p0 [tilespmem:s4], [sflag:$0x4], $0x80, s25, s2, $0xb8;
	[tilespmem:$0x1F800] =	vst v63  }
0x54: {  	_ =	swait.ge [sflag:s0], $0x4000  }
0x55: {  	[sflag:s0] =	ssyncset.done $0x0  }
0x56: {  	[sflag:s0] =	ssyncadd.s32 $0xFFFFC000  }
0x57: {  	_ =	swait.ge [sflag:s18], $0x4000  }
0x58: {  	[sflag:s18] =	ssyncset.done $0x0  }
0x59: {  	[sflag:s18] =	ssyncadd.s32 $0xFFFFC000  }
0x5a: {  	[spmem:s3] =	stream.indirect.scatter.add.f32 [tilespmem:s21], [sflag:$0x3], $0x80, s20, s19, $0xb8;
	[tilespmem:$0x1F800] =	vst v63  }
0x5b: {  	_ =	swait.ge [sflag:s15], $0x4000  }
0x5c: {  	[sflag:s15] =	ssyncset.done $0x0  }
0x5d: {  	s25 =	simm.s32 $0x0;
	[sflag:s15] =	ssyncadd.s32 $0xFFFFC000  }
.LBB2_5:
0x5e: {  	s0 =	sshra.s32 s25, $0x2  }
0x5f: {  	v1 =	vld [tilespmem:s0+$0x800];
	_ =	sdelay $0x7  }
0x60: {  	[tilespmem:v1+s16+$0x0] =	vst.idx.add.f32.msk $0xffff, v0  }
0x61: {  	v1 =	vld [tilespmem:s0+$0x810];
	_ =	sdelay $0x7  }
0x62: {  	[tilespmem:v1+s16+$0x0] =	vst.idx.add.f32.msk $0xffff, v0  }
0x63: {  	v1 =	vld [tilespmem:s0+$0x820];
	_ =	sdelay $0x7  }
0x64: {  	[tilespmem:v1+s16+$0x0] =	vst.idx.add.f32.msk $0xffff, v0  }
0x65: {  	v1 =	vld [tilespmem:s0+$0x830];
	_ =	sdelay $0x7  }
0x66: {  	[tilespmem:v1+s16+$0x0] =	vst.idx.add.f32.msk $0xffff, v0  }
0x67: {  	v1 =	vld [tilespmem:s0+$0x840];
	_ =	sdelay $0x7  }
0x68: {  	[tilespmem:v1+s16+$0x0] =	vst.idx.add.f32.msk $0xffff, v0  }
0x69: {  	v1 =	vld [tilespmem:s0+$0x850];
	_ =	sdelay $0x7  }
0x6a: {  	[tilespmem:v1+s16+$0x0] =	vst.idx.add.f32.msk $0xffff, v0  }
0x6b: {  	v1 =	vld [tilespmem:s0+$0x860];
	_ =	sdelay $0x7  }
0x6c: {  	[tilespmem:v1+s16+$0x0] =	vst.idx.add.f32.msk $0xffff, v0  }
0x6d: {  	v1 =	vld [tilespmem:s0+$0x870];
	_ =	sdelay $0x2  }
0x6e: {  	p0 =	sne.s32 s25, $0x1E00  }
.Ltmp1:
0x6f: {  	_ = 	snop;
	(pc) =	sbr.rel @p0 .LBB2_5-.Ltmp1, $2  }
0x70: {  	_ =	sdelay $0x2  }
0x71: {  	s25 =	sadd.s32 $0x200, s25;
	[tilespmem:v1+s16+$0x0] =	vst.idx.add.f32.msk $0xffff, v0  }
0x72: {  	s24 =	sadd.s32 $0x1, s24  }
0x73: {  	p0 =	sne.s32 s24, $0x5  }
.Ltmp2:
0x74: {  	_ = 	snop;
	(pc) =	sbr.rel @p0 .LBB2_2-.Ltmp2, $1  }
0x75: {  	_ =	sdelay $0x3  }
0x76: {  	[hbm4b:s11+s19] =	stream.strided.scatter [tilespmem:s16], [sflag:$0x3], $0x2800, s22, s19, $0x38;
	[tilespmem:$0x1F800] =	vst v63  }
0x77: {  	_ =	swait.ge [sflag:s15], $0x2800  }
0x78: {  	s23 =	sadd.s32 $0x1, s23;
	[sflag:s15] =	ssyncset.done $0x0  }
0x79: {  	p0 =	sne.s32 s23, s13;
	[sflag:s15] =	ssyncadd.s32 $0xFFFFD800  }
.Ltmp3:
0x7a: {  	[bflag:$0x0] =	sbarrier.arrive $0xFFFF;
	(pc) =	sbr.rel @p0 .LBB2_1-.Ltmp3, $4  }
0x7b: {  	[hbm:s12], [sflag:s9] =	dma.local [spmem:s14], $0x2800  }
0x7c: {  	_ =	swait.ge [sflag:s15], $0x2800  }
0x7d: {  	[sflag:s15] =	ssyncset.done $0x0  }
0x7e: {  	[sflag:s15] =	ssyncadd.s32 $0xFFFFD800  }
0x7f: {  	_ =	sfence.sel $0x180000  }
0x80: {  	[bflag:$0x0] =	sbarrier.arrive $0xFFFF  }
0x81: {  	_ =	strace $0x90000047  }
0x82: {  	s0 =	stileid.u32;
	[bflag:$0x2] =	sbarrier.arrive $0xFFFF  }
0x83: {  	p0 =	sne.s32 s0, $0x0;
	s0 =	rddreg [dreg:$0x3]  }
0x84: {  	s0 =	sadd.s32 @!p0 $0x100000, s0  }
0x85: {  	[sflag:s0] =	ssyncadd.tile.s32 @!p0 $0x1;
	_ =	shalt  }
.Lfunc_end2:
_tile_overlayer_lowered:
.L_overlay_start_2:
0x86: {  	(tag) =	ssettag $0x2  }
0x87: {  	s0 =	rddreg [dreg:$0x0];
	s2 =	stileid.u32  }
0x88: {  	s1 =	rddreg [dreg:$0x1];
	p0 =	sne.s32 s2, $0x0  }
0x89: {  	s3 =	rddreg [dreg:$0x2];
	[bflag:$0x3] =	sbarrier.arrive $0xFFFF;
	s2 =	simm.s32 @!p0 $0x1C03  }
0x8a: {  	[timem:s3], [sflag:s2] =	dma.local @!p0 [hbm:s0], s1  }
0x8b: {  	s0 =	simm.s32 @!p0 $0x3  }
0x8c: {  	_ =	swait.ge @!p0 [sflag:s0], s1  }
0x8d: {  	s1 =	ssub.s32 @!p0 $0x0, s1;
	[sflag:s0] =	ssyncset.done @!p0 $0x0  }
0x8e: {  	[sflag:s0] =	ssyncadd.s32 @!p0 s1  }
0x8f: {  	[bflag:$0x3] =	sbarrier.arrive $0xFFFF  }
0x90: {  	_ =	shalt  }

</sc_bundles>
